<compile_context>
chip_gen: v7x
topology: tpu7x:2x2x1
jax: 0.10.2.dev20260603
libtpu: 0.0.44.dev20260713+nightly
codegen_flags: <defaults>
</compile_context>

<pallas_src>
import functools

import jax
import jax.numpy as jnp
from jax import lax
from jax.experimental import pallas as pl
from jax.experimental.pallas import tpu as pltpu
from jax.experimental.pallas import tpu_sc as plsc

_HPAD = 56


@functools.cache
def _make_gather(BP, D, V):
    info = plsc.get_sparse_core_info()
    NC, NS = info.num_cores, info.num_subcores
    NW = NC * NS
    assert BP % NW == 0
    b_per_w = BP // NW
    C = 448
    assert b_per_w % C == 0
    n_chunks = b_per_w // C
    mesh = plsc.VectorSubcoreMesh(core_axis_name="c", subcore_axis_name="s")

    @functools.partial(
        pl.kernel,
        mesh=mesh,
        out_type=jax.ShapeDtypeStruct((BP, D), jnp.float32),
        scratch_types=[
            pltpu.VMEM((C,), jnp.int32),
            pltpu.VMEM((C,), jnp.int32),
            pltpu.VMEM((C, D), jnp.float32),
            pltpu.VMEM((C, D), jnp.float32),
            pltpu.SemaphoreType.DMA,
            pltpu.SemaphoreType.DMA,
        ],
    )
    def gather_kernel(table_hbm, idx_hbm, out_hbm, idx0, idx1, rows0, rows1,
                      gsem, osem):
        idx_v = (idx0, idx1)
        rows_v = (rows0, rows1)
        wid = lax.axis_index("s") * NC + lax.axis_index("c")
        base = wid * b_per_w

        gathers = [None] * n_chunks
        outs = [None] * n_chunks
        for j in range(n_chunks):
            b = j & 1
            if j >= 2:
                outs[j - 2].wait()
            off = base + j * C
            pltpu.sync_copy(idx_hbm.at[pl.ds(off, C)], idx_v[b])
            gathers[j] = pltpu.async_copy(table_hbm.at[idx_v[b]], rows_v[b], gsem)
            if j >= 1:
                gathers[j - 1].wait()
                outs[j - 1] = pltpu.async_copy(
                    rows_v[(j - 1) & 1], out_hbm.at[pl.ds(base + (j - 1) * C, C)],
                    osem)
        gathers[n_chunks - 1].wait()
        outs[n_chunks - 1] = pltpu.async_copy(
            rows_v[(n_chunks - 1) & 1],
            out_hbm.at[pl.ds(base + (n_chunks - 1) * C, C)], osem)
        outs[n_chunks - 2].wait()
        outs[n_chunks - 1].wait()

    return gather_kernel


def kernel(input_ids, embeddings):
    batch, hist = input_ids.shape
    vocab, dim = embeddings.shape
    idx = jnp.pad(input_ids.astype(jnp.int32), ((0, 0), (0, _HPAD - hist)))
    out = _make_gather(batch * _HPAD, dim, vocab)(embeddings, idx.reshape(-1))
    return out.reshape(batch, _HPAD, dim)[:, :hist, :]

# --- scband reference (transcript-rebuilt; emitter-appended) ---
"""Pipeline reference for scband-frozen-embeddings-29953101923037 (READ-ONLY COPY).

The authoritative reference and input builder live on the scoring server;
editing this copy changes nothing except your own understanding.
"""

import jax, jax.numpy as jnp
import numpy as np

VOCAB = 100000
DIM = 128
BATCH = 4096
HIST = 50

def setup_inputs(seed: int = 0) -> dict:
    key = jax.random.key(seed)
    k1, k2 = jax.random.split(key)
    input_ids = jax.random.randint(k1, (BATCH, HIST), 0, VOCAB, dtype=jnp.int64 if jax.config.jax_enable_x64 else jnp.int32)
    embeddings = jax.random.normal(k2, (VOCAB, DIM), dtype=jnp.float32)
    return {"input_ids": input_ids, "embeddings": embeddings}

def reference(input_ids, embeddings):
    # FrozenEmbeddings.call with mode='embedding': tf.gather(self.embeddings, input_ids)
    return jnp.take(embeddings, input_ids, axis=0)

if __name__ == "__main__":
    import jax
    _d = setup_inputs()
    print(jax.jit(kernel)(*tuple(_d.values())))

</pallas_src>

<mosaic_0001>
#map = affine_map<(d0, d1) -> (0, 0)>
#map1 = affine_map<(d0, d1) -> (0)>
module attributes {stable_mosaic.version = 14 : i64} {
  func.func @gather_kernel(%arg0: i32, %arg1: i32, %arg2: memref<100000x128xf32, #tpu.memory_space<hbm>>, %arg3: memref<229376xi32, #tpu.memory_space<hbm>>, %arg4: memref<229376x128xf32, #tpu.memory_space<hbm>>, %arg5: memref<448xi32, #tpu.memory_space<vmem>>, %arg6: memref<448xi32, #tpu.memory_space<vmem>>, %arg7: memref<448x128xf32, #tpu.memory_space<vmem>>, %arg8: memref<448x128xf32, #tpu.memory_space<vmem>>, %arg9: memref<!tpu.dma_semaphore, #tpu.memory_space<semaphore_mem>>, %arg10: memref<!tpu.dma_semaphore, #tpu.memory_space<semaphore_mem>>) attributes {dimension_semantics = [#tpu.dimension_semantics<core_parallel>, #tpu.dimension_semantics<subcore_parallel>], iteration_bounds = array<i64: 2, 16>, scalar_prefetch = 0 : i64, scratch_operands = 6 : i64, tpu.core_type = #tpu.core_type<sc_vector_subcore>, window_params = [{transform_indices = #map}, {transform_indices = #map1}, {transform_indices = #map}]} {
    %mul3A = arith.constant 2 : i32
    %mul3A_0 = arith.muli %arg1, %mul3A : i32
    %add3A = arith.addi %mul3A_0, %arg0 : i32
    %mul3A_1 = arith.constant 7168 : i32
    %mul3A_2 = arith.muli %add3A, %mul3A_1 : i32
    %add3A_3 = arith.constant 0 : i32
    %add3A_4 = arith.addi %mul3A_2, %add3A_3 : i32
    "tpu.region"() ({
      %run_scoped3A = tpu.sem_alloc : memref<!tpu.dma_semaphore, #tpu.memory_space<semaphore_mem>>
      %dma_start3A_289 = tpu.memref_slice %arg3[%add3A_4] : memref<229376xi32, #tpu.memory_space<hbm>> -> memref<448xi32, #tpu.memory_space<hbm>>
      %dma_start3A_290 = tpu.memref_slice %arg3[%add3A_4] : memref<229376xi32, #tpu.memory_space<hbm>> -> memref<448xi32, #tpu.memory_space<hbm>>
      tpu.enqueue_dma source(%dma_start3A_290 : memref<448xi32, #tpu.memory_space<hbm>>) target(%arg5 : memref<448xi32, #tpu.memory_space<vmem>>) target_semaphore(%run_scoped3A : memref<!tpu.dma_semaphore, #tpu.memory_space<semaphore_mem>>)
      %dma_wait3A_291 = tpu.memref_slice %arg3[%add3A_4] : memref<229376xi32, #tpu.memory_space<hbm>> -> memref<448xi32, #tpu.memory_space<hbm>>
      %dma_wait3A_292 = tpu.memref_slice %arg3[%add3A_4] : memref<229376xi32, #tpu.memory_space<hbm>> -> memref<448xi32, #tpu.memory_space<hbm>>
      tpu.wait_dma2 semaphore(%run_scoped3A : memref<!tpu.dma_semaphore, #tpu.memory_space<semaphore_mem>>) src(%dma_wait3A_292 : memref<448xi32, #tpu.memory_space<hbm>>) dst(%arg5 : memref<448xi32, #tpu.memory_space<vmem>>)
      tpu.yield
    }) : () -> ()
    %dma_start3A = arith.constant 0 : i32
    %dma_start3A_5 = arith.constant 0 : i32
    %dma_start3A_6 = tpu.memref_slice %arg2[%dma_start3A, %dma_start3A_5] : memref<100000x128xf32, #tpu.memory_space<hbm>> -> memref<100000x128xf32, #tpu.memory_space<hbm>>
    tpu.enqueue_indirect_dma source(%dma_start3A_6 : memref<100000x128xf32, #tpu.memory_space<hbm>>) target(%arg7 : memref<448x128xf32, #tpu.memory_space<vmem>>) offsets(%arg5 : memref<448xi32, #tpu.memory_space<vmem>>) semaphore(%arg9 : memref<!tpu.dma_semaphore, #tpu.memory_space<semaphore_mem>>)
    %add3A_7 = arith.constant 448 : i32
    %add3A_8 = arith.addi %mul3A_2, %add3A_7 : i32
    "tpu.region"() ({
      %run_scoped3A = tpu.sem_alloc : memref<!tpu.dma_semaphore, #tpu.memory_space<semaphore_mem>>
      %dma_start3A_289 = tpu.memref_slice %arg3[%add3A_8] : memref<229376xi32, #tpu.memory_space<hbm>> -> memref<448xi32, #tpu.memory_space<hbm>>
      %dma_start3A_290 = tpu.memref_slice %arg3[%add3A_8] : memref<229376xi32, #tpu.memory_space<hbm>> -> memref<448xi32, #tpu.memory_space<hbm>>
      tpu.enqueue_dma source(%dma_start3A_290 : memref<448xi32, #tpu.memory_space<hbm>>) target(%arg6 : memref<448xi32, #tpu.memory_space<vmem>>) target_semaphore(%run_scoped3A : memref<!tpu.dma_semaphore, #tpu.memory_space<semaphore_mem>>)
      %dma_wait3A_291 = tpu.memref_slice %arg3[%add3A_8] : memref<229376xi32, #tpu.memory_space<hbm>> -> memref<448xi32, #tpu.memory_space<hbm>>
      %dma_wait3A_292 = tpu.memref_slice %arg3[%add3A_8] : memref<229376xi32, #tpu.memory_space<hbm>> -> memref<448xi32, #tpu.memory_space<hbm>>
      tpu.wait_dma2 semaphore(%run_scoped3A : memref<!tpu.dma_semaphore, #tpu.memory_space<semaphore_mem>>) src(%dma_wait3A_292 : memref<448xi32, #tpu.memory_space<hbm>>) dst(%arg6 : memref<448xi32, #tpu.memory_space<vmem>>)
      tpu.yield
    }) : () -> ()
    %dma_start3A_9 = arith.constant 0 : i32
    %dma_start3A_10 = arith.constant 0 : i32
    %dma_start3A_11 = tpu.memref_slice %arg2[%dma_start3A_9, %dma_start3A_10] : memref<100000x128xf32, #tpu.memory_space<hbm>> -> memref<100000x128xf32, #tpu.memory_space<hbm>>
    tpu.enqueue_indirect_dma source(%dma_start3A_11 : memref<100000x128xf32, #tpu.memory_space<hbm>>) target(%arg8 : memref<448x128xf32, #tpu.memory_space<vmem>>) offsets(%arg6 : memref<448xi32, #tpu.memory_space<vmem>>) semaphore(%arg9 : memref<!tpu.dma_semaphore, #tpu.memory_space<semaphore_mem>>)
    %dma_wait3A = arith.constant 0 : i32
    %dma_wait3A_12 = arith.constant 0 : i32
    %dma_wait3A_13 = tpu.memref_slice %arg2[%dma_wait3A, %dma_wait3A_12] : memref<100000x128xf32, #tpu.memory_space<hbm>> -> memref<100000x128xf32, #tpu.memory_space<hbm>>
    tpu.wait_indirect_dma semaphore(%arg9 : memref<!tpu.dma_semaphore, #tpu.memory_space<semaphore_mem>>) src(%dma_wait3A_13 : memref<100000x128xf32, #tpu.memory_space<hbm>>) dst(%arg7 : memref<448x128xf32, #tpu.memory_space<vmem>>)
    %add3A_14 = arith.constant 0 : i32
    %add3A_15 = arith.addi %mul3A_2, %add3A_14 : i32
    %dma_start3A_16 = arith.constant 0 : i32
    %dma_start3A_17 = tpu.memref_slice %arg4[%add3A_15, %dma_start3A_16] : memref<229376x128xf32, #tpu.memory_space<hbm>> -> memref<448x128xf32, #tpu.memory_space<hbm>>
    %dma_start3A_18 = arith.constant 0 : i32
    %dma_start3A_19 = tpu.memref_slice %arg4[%add3A_15, %dma_start3A_18] : memref<229376x128xf32, #tpu.memory_space<hbm>> -> memref<448x128xf32, #tpu.memory_space<hbm>>
    tpu.enqueue_dma source(%arg7 : memref<448x128xf32, #tpu.memory_space<vmem>>) target(%dma_start3A_19 : memref<448x128xf32, #tpu.memory_space<hbm>>) target_semaphore(%arg10 : memref<!tpu.dma_semaphore, #tpu.memory_space<semaphore_mem>>)
    %dma_wait3A_20 = arith.constant 0 : i32
    %dma_wait3A_21 = tpu.memref_slice %arg4[%add3A_15, %dma_wait3A_20] : memref<229376x128xf32, #tpu.memory_space<hbm>> -> memref<448x128xf32, #tpu.memory_space<hbm>>
    %dma_wait3A_22 = arith.constant 0 : i32
    %dma_wait3A_23 = tpu.memref_slice %arg4[%add3A_15, %dma_wait3A_22] : memref<229376x128xf32, #tpu.memory_space<hbm>> -> memref<448x128xf32, #tpu.memory_space<hbm>>
    tpu.wait_dma2 semaphore(%arg10 : memref<!tpu.dma_semaphore, #tpu.memory_space<semaphore_mem>>) src(%arg7 : memref<448x128xf32, #tpu.memory_space<vmem>>) dst(%dma_wait3A_23 : memref<448x128xf32, #tpu.memory_space<hbm>>)
    %add3A_24 = arith.constant 896 : i32
    %add3A_25 = arith.addi %mul3A_2, %add3A_24 : i32
    "tpu.region"() ({
      %run_scoped3A = tpu.sem_alloc : memref<!tpu.dma_semaphore, #tpu.memory_space<semaphore_mem>>
      %dma_start3A_289 = tpu.memref_slice %arg3[%add3A_25] : memref<229376xi32, #tpu.memory_space<hbm>> -> memref<448xi32, #tpu.memory_space<hbm>>
      %dma_start3A_290 = tpu.memref_slice %arg3[%add3A_25] : memref<229376xi32, #tpu.memory_space<hbm>> -> memref<448xi32, #tpu.memory_space<hbm>>
      tpu.enqueue_dma source(%dma_start3A_290 : memref<448xi32, #tpu.memory_space<hbm>>) target(%arg5 : memref<448xi32, #tpu.memory_space<vmem>>) target_semaphore(%run_scoped3A : memref<!tpu.dma_semaphore, #tpu.memory_space<semaphore_mem>>)
      %dma_wait3A_291 = tpu.memref_slice %arg3[%add3A_25] : memref<229376xi32, #tpu.memory_space<hbm>> -> memref<448xi32, #tpu.memory_space<hbm>>
      %dma_wait3A_292 = tpu.memref_slice %arg3[%add3A_25] : memref<229376xi32, #tpu.memory_space<hbm>> -> memref<448xi32, #tpu.memory_space<hbm>>
      tpu.wait_dma2 semaphore(%run_scoped3A : memref<!tpu.dma_semaphore, #tpu.memory_space<semaphore_mem>>) src(%dma_wait3A_292 : memref<448xi32, #tpu.memory_space<hbm>>) dst(%arg5 : memref<448xi32, #tpu.memory_space<vmem>>)
      tpu.yield
    }) : () -> ()
    %dma_start3A_26 = arith.constant 0 : i32
    %dma_start3A_27 = arith.constant 0 : i32
    %dma_start3A_28 = tpu.memref_slice %arg2[%dma_start3A_26, %dma_start3A_27] : memref<100000x128xf32, #tpu.memory_space<hbm>> -> memref<100000x128xf32, #tpu.memory_space<hbm>>
    tpu.enqueue_indirect_dma source(%dma_start3A_28 : memref<100000x128xf32, #tpu.memory_space<hbm>>) target(%arg7 : memref<448x128xf32, #tpu.memory_space<vmem>>) offsets(%arg5 : memref<448xi32, #tpu.memory_space<vmem>>) semaphore(%arg9 : memref<!tpu.dma_semaphore, #tpu.memory_space<semaphore_mem>>)
    %dma_wait3A_29 = arith.constant 0 : i32
    %dma_wait3A_30 = arith.constant 0 : i32
    %dma_wait3A_31 = tpu.memref_slice %arg2[%dma_wait3A_29, %dma_wait3A_30] : memref<100000x128xf32, #tpu.memory_space<hbm>> -> memref<100000x128xf32, #tpu.memory_space<hbm>>
    tpu.wait_indirect_dma semaphore(%arg9 : memref<!tpu.dma_semaphore, #tpu.memory_space<semaphore_mem>>) src(%dma_wait3A_31 : memref<100000x128xf32, #tpu.memory_space<hbm>>) dst(%arg8 : memref<448x128xf32, #tpu.memory_space<vmem>>)
    %add3A_32 = arith.constant 448 : i32
    %add3A_33 = arith.addi %mul3A_2, %add3A_32 : i32
    %dma_start3A_34 = arith.constant 0 : i32
    %dma_start3A_35 = tpu.memref_slice %arg4[%add3A_33, %dma_start3A_34] : memref<229376x128xf32, #tpu.memory_space<hbm>> -> memref<448x128xf32, #tpu.memory_space<hbm>>
    %dma_start3A_36 = arith.constant 0 : i32
    %dma_start3A_37 = tpu.memref_slice %arg4[%add3A_33, %dma_start3A_36] : memref<229376x128xf32, #tpu.memory_space<hbm>> -> memref<448x128xf32, #tpu.memory_space<hbm>>
    tpu.enqueue_dma source(%arg8 : memref<448x128xf32, #tpu.memory_space<vmem>>) target(%dma_start3A_37 : memref<448x128xf32, #tpu.memory_space<hbm>>) target_semaphore(%arg10 : memref<!tpu.dma_semaphore, #tpu.memory_space<semaphore_mem>>)
    %dma_wait3A_38 = arith.constant 0 : i32
    %dma_wait3A_39 = tpu.memref_slice %arg4[%add3A_33, %dma_wait3A_38] : memref<229376x128xf32, #tpu.memory_space<hbm>> -> memref<448x128xf32, #tpu.memory_space<hbm>>
    %dma_wait3A_40 = arith.constant 0 : i32
    %dma_wait3A_41 = tpu.memref_slice %arg4[%add3A_33, %dma_wait3A_40] : memref<229376x128xf32, #tpu.memory_space<hbm>> -> memref<448x128xf32, #tpu.memory_space<hbm>>
    tpu.wait_dma2 semaphore(%arg10 : memref<!tpu.dma_semaphore, #tpu.memory_space<semaphore_mem>>) src(%arg8 : memref<448x128xf32, #tpu.memory_space<vmem>>) dst(%dma_wait3A_41 : memref<448x128xf32, #tpu.memory_space<hbm>>)
    %add3A_42 = arith.constant 1344 : i32
    %add3A_43 = arith.addi %mul3A_2, %add3A_42 : i32
    "tpu.region"() ({
      %run_scoped3A = tpu.sem_alloc : memref<!tpu.dma_semaphore, #tpu.memory_space<semaphore_mem>>
      %dma_start3A_289 = tpu.memref_slice %arg3[%add3A_43] : memref<229376xi32, #tpu.memory_space<hbm>> -> memref<448xi32, #tpu.memory_space<hbm>>
      %dma_start3A_290 = tpu.memref_slice %arg3[%add3A_43] : memref<229376xi32, #tpu.memory_space<hbm>> -> memref<448xi32, #tpu.memory_space<hbm>>
      tpu.enqueue_dma source(%dma_start3A_290 : memref<448xi32, #tpu.memory_space<hbm>>) target(%arg6 : memref<448xi32, #tpu.memory_space<vmem>>) target_semaphore(%run_scoped3A : memref<!tpu.dma_semaphore, #tpu.memory_space<semaphore_mem>>)
      %dma_wait3A_291 = tpu.memref_slice %arg3[%add3A_43] : memref<229376xi32, #tpu.memory_space<hbm>> -> memref<448xi32, #tpu.memory_space<hbm>>
      %dma_wait3A_292 = tpu.memref_slice %arg3[%add3A_43] : memref<229376xi32, #tpu.memory_space<hbm>> -> memref<448xi32, #tpu.memory_space<hbm>>
      tpu.wait_dma2 semaphore(%run_scoped3A : memref<!tpu.dma_semaphore, #tpu.memory_space<semaphore_mem>>) src(%dma_wait3A_292 : memref<448xi32, #tpu.memory_space<hbm>>) dst(%arg6 : memref<448xi32, #tpu.memory_space<vmem>>)
      tpu.yield
    }) : () -> ()
    %dma_start3A_44 = arith.constant 0 : i32
    %dma_start3A_45 = arith.constant 0 : i32
    %dma_start3A_46 = tpu.memref_slice %arg2[%dma_start3A_44, %dma_start3A_45] : memref<100000x128xf32, #tpu.memory_space<hbm>> -> memref<100000x128xf32, #tpu.memory_space<hbm>>
    tpu.enqueue_indirect_dma source(%dma_start3A_46 : memref<100000x128xf32, #tpu.memory_space<hbm>>) target(%arg8 : memref<448x128xf32, #tpu.memory_space<vmem>>) offsets(%arg6 : memref<448xi32, #tpu.memory_space<vmem>>) semaphore(%arg9 : memref<!tpu.dma_semaphore, #tpu.memory_space<semaphore_mem>>)
    %dma_wait3A_47 = arith.constant 0 : i32
    %dma_wait3A_48 = arith.constant 0 : i32
    %dma_wait3A_49 = tpu.memref_slice %arg2[%dma_wait3A_47, %dma_wait3A_48] : memref<100000x128xf32, #tpu.memory_space<hbm>> -> memref<100000x128xf32, #tpu.memory_space<hbm>>
    tpu.wait_indirect_dma semaphore(%arg9 : memref<!tpu.dma_semaphore, #tpu.memory_space<semaphore_mem>>) src(%dma_wait3A_49 : memref<100000x128xf32, #tpu.memory_space<hbm>>) dst(%arg7 : memref<448x128xf32, #tpu.memory_space<vmem>>)
    %add3A_50 = arith.constant 896 : i32
    %add3A_51 = arith.addi %mul3A_2, %add3A_50 : i32
    %dma_start3A_52 = arith.constant 0 : i32
    %dma_start3A_53 = tpu.memref_slice %arg4[%add3A_51, %dma_start3A_52] : memref<229376x128xf32, #tpu.memory_space<hbm>> -> memref<448x128xf32, #tpu.memory_space<hbm>>
    %dma_start3A_54 = arith.constant 0 : i32
    %dma_start3A_55 = tpu.memref_slice %arg4[%add3A_51, %dma_start3A_54] : memref<229376x128xf32, #tpu.memory_space<hbm>> -> memref<448x128xf32, #tpu.memory_space<hbm>>
    tpu.enqueue_dma source(%arg7 : memref<448x128xf32, #tpu.memory_space<vmem>>) target(%dma_start3A_55 : memref<448x128xf32, #tpu.memory_space<hbm>>) target_semaphore(%arg10 : memref<!tpu.dma_semaphore, #tpu.memory_space<semaphore_mem>>)
    %dma_wait3A_56 = arith.constant 0 : i32
    %dma_wait3A_57 = tpu.memref_slice %arg4[%add3A_51, %dma_wait3A_56] : memref<229376x128xf32, #tpu.memory_space<hbm>> -> memref<448x128xf32, #tpu.memory_space<hbm>>
    %dma_wait3A_58 = arith.constant 0 : i32
    %dma_wait3A_59 = tpu.memref_slice %arg4[%add3A_51, %dma_wait3A_58] : memref<229376x128xf32, #tpu.memory_space<hbm>> -> memref<448x128xf32, #tpu.memory_space<hbm>>
    tpu.wait_dma2 semaphore(%arg10 : memref<!tpu.dma_semaphore, #tpu.memory_space<semaphore_mem>>) src(%arg7 : memref<448x128xf32, #tpu.memory_space<vmem>>) dst(%dma_wait3A_59 : memref<448x128xf32, #tpu.memory_space<hbm>>)
    %add3A_60 = arith.constant 1792 : i32
    %add3A_61 = arith.addi %mul3A_2, %add3A_60 : i32
    "tpu.region"() ({
      %run_scoped3A = tpu.sem_alloc : memref<!tpu.dma_semaphore, #tpu.memory_space<semaphore_mem>>
      %dma_start3A_289 = tpu.memref_slice %arg3[%add3A_61] : memref<229376xi32, #tpu.memory_space<hbm>> -> memref<448xi32, #tpu.memory_space<hbm>>
      %dma_start3A_290 = tpu.memref_slice %arg3[%add3A_61] : memref<229376xi32, #tpu.memory_space<hbm>> -> memref<448xi32, #tpu.memory_space<hbm>>
      tpu.enqueue_dma source(%dma_start3A_290 : memref<448xi32, #tpu.memory_space<hbm>>) target(%arg5 : memref<448xi32, #tpu.memory_space<vmem>>) target_semaphore(%run_scoped3A : memref<!tpu.dma_semaphore, #tpu.memory_space<semaphore_mem>>)
      %dma_wait3A_291 = tpu.memref_slice %arg3[%add3A_61] : memref<229376xi32, #tpu.memory_space<hbm>> -> memref<448xi32, #tpu.memory_space<hbm>>
      %dma_wait3A_292 = tpu.memref_slice %arg3[%add3A_61] : memref<229376xi32, #tpu.memory_space<hbm>> -> memref<448xi32, #tpu.memory_space<hbm>>
      tpu.wait_dma2 semaphore(%run_scoped3A : memref<!tpu.dma_semaphore, #tpu.memory_space<semaphore_mem>>) src(%dma_wait3A_292 : memref<448xi32, #tpu.memory_space<hbm>>) dst(%arg5 : memref<448xi32, #tpu.memory_space<vmem>>)
      tpu.yield
    }) : () -> ()
    %dma_start3A_62 = arith.constant 0 : i32
    %dma_start3A_63 = arith.constant 0 : i32
    %dma_start3A_64 = tpu.memref_slice %arg2[%dma_start3A_62, %dma_start3A_63] : memref<100000x128xf32, #tpu.memory_space<hbm>> -> memref<100000x128xf32, #tpu.memory_space<hbm>>
    tpu.enqueue_indirect_dma source(%dma_start3A_64 : memref<100000x128xf32, #tpu.memory_space<hbm>>) target(%arg7 : memref<448x128xf32, #tpu.memory_space<vmem>>) offsets(%arg5 : memref<448xi32, #tpu.memory_space<vmem>>) semaphore(%arg9 : memref<!tpu.dma_semaphore, #tpu.memory_space<semaphore_mem>>)
    %dma_wait3A_65 = arith.constant 0 : i32
    %dma_wait3A_66 = arith.constant 0 : i32
    %dma_wait3A_67 = tpu.memref_slice %arg2[%dma_wait3A_65, %dma_wait3A_66] : memref<100000x128xf32, #tpu.memory_space<hbm>> -> memref<100000x128xf32, #tpu.memory_space<hbm>>
    tpu.wait_indirect_dma semaphore(%arg9 : memref<!tpu.dma_semaphore, #tpu.memory_space<semaphore_mem>>) src(%dma_wait3A_67 : memref<100000x128xf32, #tpu.memory_space<hbm>>) dst(%arg8 : memref<448x128xf32, #tpu.memory_space<vmem>>)
    %add3A_68 = arith.constant 1344 : i32
    %add3A_69 = arith.addi %mul3A_2, %add3A_68 : i32
    %dma_start3A_70 = arith.constant 0 : i32
    %dma_start3A_71 = tpu.memref_slice %arg4[%add3A_69, %dma_start3A_70] : memref<229376x128xf32, #tpu.memory_space<hbm>> -> memref<448x128xf32, #tpu.memory_space<hbm>>
    %dma_start3A_72 = arith.constant 0 : i32
    %dma_start3A_73 = tpu.memref_slice %arg4[%add3A_69, %dma_start3A_72] : memref<229376x128xf32, #tpu.memory_space<hbm>> -> memref<448x128xf32, #tpu.memory_space<hbm>>
    tpu.enqueue_dma source(%arg8 : memref<448x128xf32, #tpu.memory_space<vmem>>) target(%dma_start3A_73 : memref<448x128xf32, #tpu.memory_space<hbm>>) target_semaphore(%arg10 : memref<!tpu.dma_semaphore, #tpu.memory_space<semaphore_mem>>)
    %dma_wait3A_74 = arith.constant 0 : i32
    %dma_wait3A_75 = tpu.memref_slice %arg4[%add3A_69, %dma_wait3A_74] : memref<229376x128xf32, #tpu.memory_space<hbm>> -> memref<448x128xf32, #tpu.memory_space<hbm>>
    %dma_wait3A_76 = arith.constant 0 : i32
    %dma_wait3A_77 = tpu.memref_slice %arg4[%add3A_69, %dma_wait3A_76] : memref<229376x128xf32, #tpu.memory_space<hbm>> -> memref<448x128xf32, #tpu.memory_space<hbm>>
    tpu.wait_dma2 semaphore(%arg10 : memref<!tpu.dma_semaphore, #tpu.memory_space<semaphore_mem>>) src(%arg8 : memref<448x128xf32, #tpu.memory_space<vmem>>) dst(%dma_wait3A_77 : memref<448x128xf32, #tpu.memory_space<hbm>>)
    %add3A_78 = arith.constant 2240 : i32
    %add3A_79 = arith.addi %mul3A_2, %add3A_78 : i32
    "tpu.region"() ({
      %run_scoped3A = tpu.sem_alloc : memref<!tpu.dma_semaphore, #tpu.memory_space<semaphore_mem>>
      %dma_start3A_289 = tpu.memref_slice %arg3[%add3A_79] : memref<229376xi32, #tpu.memory_space<hbm>> -> memref<448xi32, #tpu.memory_space<hbm>>
      %dma_start3A_290 = tpu.memref_slice %arg3[%add3A_79] : memref<229376xi32, #tpu.memory_space<hbm>> -> memref<448xi32, #tpu.memory_space<hbm>>
      tpu.enqueue_dma source(%dma_start3A_290 : memref<448xi32, #tpu.memory_space<hbm>>) target(%arg6 : memref<448xi32, #tpu.memory_space<vmem>>) target_semaphore(%run_scoped3A : memref<!tpu.dma_semaphore, #tpu.memory_space<semaphore_mem>>)
      %dma_wait3A_291 = tpu.memref_slice %arg3[%add3A_79] : memref<229376xi32, #tpu.memory_space<hbm>> -> memref<448xi32, #tpu.memory_space<hbm>>
      %dma_wait3A_292 = tpu.memref_slice %arg3[%add3A_79] : memref<229376xi32, #tpu.memory_space<hbm>> -> memref<448xi32, #tpu.memory_space<hbm>>
      tpu.wait_dma2 semaphore(%run_scoped3A : memref<!tpu.dma_semaphore, #tpu.memory_space<semaphore_mem>>) src(%dma_wait3A_292 : memref<448xi32, #tpu.memory_space<hbm>>) dst(%arg6 : memref<448xi32, #tpu.memory_space<vmem>>)
      tpu.yield
    }) : () -> ()
    %dma_start3A_80 = arith.constant 0 : i32
    %dma_start3A_81 = arith.constant 0 : i32
    %dma_start3A_82 = tpu.memref_slice %arg2[%dma_start3A_80, %dma_start3A_81] : memref<100000x128xf32, #tpu.memory_space<hbm>> -> memref<100000x128xf32, #tpu.memory_space<hbm>>
    tpu.enqueue_indirect_dma source(%dma_start3A_82 : memref<100000x128xf32, #tpu.memory_space<hbm>>) target(%arg8 : memref<448x128xf32, #tpu.memory_space<vmem>>) offsets(%arg6 : memref<448xi32, #tpu.memory_space<vmem>>) semaphore(%arg9 : memref<!tpu.dma_semaphore, #tpu.memory_space<semaphore_mem>>)
    %dma_wait3A_83 = arith.constant 0 : i32
    %dma_wait3A_84 = arith.constant 0 : i32
    %dma_wait3A_85 = tpu.memref_slice %arg2[%dma_wait3A_83, %dma_wait3A_84] : memref<100000x128xf32, #tpu.memory_space<hbm>> -> memref<100000x128xf32, #tpu.memory_space<hbm>>
    tpu.wait_indirect_dma semaphore(%arg9 : memref<!tpu.dma_semaphore, #tpu.memory_space<semaphore_mem>>) src(%dma_wait3A_85 : memref<100000x128xf32, #tpu.memory_space<hbm>>) dst(%arg7 : memref<448x128xf32, #tpu.memory_space<vmem>>)
    %add3A_86 = arith.constant 1792 : i32
    %add3A_87 = arith.addi %mul3A_2, %add3A_86 : i32
    %dma_start3A_88 = arith.constant 0 : i32
    %dma_start3A_89 = tpu.memref_slice %arg4[%add3A_87, %dma_start3A_88] : memref<229376x128xf32, #tpu.memory_space<hbm>> -> memref<448x128xf32, #tpu.memory_space<hbm>>
    %dma_start3A_90 = arith.constant 0 : i32
    %dma_start3A_91 = tpu.memref_slice %arg4[%add3A_87, %dma_start3A_90] : memref<229376x128xf32, #tpu.memory_space<hbm>> -> memref<448x128xf32, #tpu.memory_space<hbm>>
    tpu.enqueue_dma source(%arg7 : memref<448x128xf32, #tpu.memory_space<vmem>>) target(%dma_start3A_91 : memref<448x128xf32, #tpu.memory_space<hbm>>) target_semaphore(%arg10 : memref<!tpu.dma_semaphore, #tpu.memory_space<semaphore_mem>>)
    %dma_wait3A_92 = arith.constant 0 : i32
    %dma_wait3A_93 = tpu.memref_slice %arg4[%add3A_87, %dma_wait3A_92] : memref<229376x128xf32, #tpu.memory_space<hbm>> -> memref<448x128xf32, #tpu.memory_space<hbm>>
    %dma_wait3A_94 = arith.constant 0 : i32
    %dma_wait3A_95 = tpu.memref_slice %arg4[%add3A_87, %dma_wait3A_94] : memref<229376x128xf32, #tpu.memory_space<hbm>> -> memref<448x128xf32, #tpu.memory_space<hbm>>
    tpu.wait_dma2 semaphore(%arg10 : memref<!tpu.dma_semaphore, #tpu.memory_space<semaphore_mem>>) src(%arg7 : memref<448x128xf32, #tpu.memory_space<vmem>>) dst(%dma_wait3A_95 : memref<448x128xf32, #tpu.memory_space<hbm>>)
    %add3A_96 = arith.constant 2688 : i32
    %add3A_97 = arith.addi %mul3A_2, %add3A_96 : i32
    "tpu.region"() ({
      %run_scoped3A = tpu.sem_alloc : memref<!tpu.dma_semaphore, #tpu.memory_space<semaphore_mem>>
      %dma_start3A_289 = tpu.memref_slice %arg3[%add3A_97] : memref<229376xi32, #tpu.memory_space<hbm>> -> memref<448xi32, #tpu.memory_space<hbm>>
      %dma_start3A_290 = tpu.memref_slice %arg3[%add3A_97] : memref<229376xi32, #tpu.memory_space<hbm>> -> memref<448xi32, #tpu.memory_space<hbm>>
      tpu.enqueue_dma source(%dma_start3A_290 : memref<448xi32, #tpu.memory_space<hbm>>) target(%arg5 : memref<448xi32, #tpu.memory_space<vmem>>) target_semaphore(%run_scoped3A : memref<!tpu.dma_semaphore, #tpu.memory_space<semaphore_mem>>)
      %dma_wait3A_291 = tpu.memref_slice %arg3[%add3A_97] : memref<229376xi32, #tpu.memory_space<hbm>> -> memref<448xi32, #tpu.memory_space<hbm>>
      %dma_wait3A_292 = tpu.memref_slice %arg3[%add3A_97] : memref<229376xi32, #tpu.memory_space<hbm>> -> memref<448xi32, #tpu.memory_space<hbm>>
      tpu.wait_dma2 semaphore(%run_scoped3A : memref<!tpu.dma_semaphore, #tpu.memory_space<semaphore_mem>>) src(%dma_wait3A_292 : memref<448xi32, #tpu.memory_space<hbm>>) dst(%arg5 : memref<448xi32, #tpu.memory_space<vmem>>)
      tpu.yield
    }) : () -> ()
    %dma_start3A_98 = arith.constant 0 : i32
    %dma_start3A_99 = arith.constant 0 : i32
    %dma_start3A_100 = tpu.memref_slice %arg2[%dma_start3A_98, %dma_start3A_99] : memref<100000x128xf32, #tpu.memory_space<hbm>> -> memref<100000x128xf32, #tpu.memory_space<hbm>>
    tpu.enqueue_indirect_dma source(%dma_start3A_100 : memref<100000x128xf32, #tpu.memory_space<hbm>>) target(%arg7 : memref<448x128xf32, #tpu.memory_space<vmem>>) offsets(%arg5 : memref<448xi32, #tpu.memory_space<vmem>>) semaphore(%arg9 : memref<!tpu.dma_semaphore, #tpu.memory_space<semaphore_mem>>)
    %dma_wait3A_101 = arith.constant 0 : i32
    %dma_wait3A_102 = arith.constant 0 : i32
    %dma_wait3A_103 = tpu.memref_slice %arg2[%dma_wait3A_101, %dma_wait3A_102] : memref<100000x128xf32, #tpu.memory_space<hbm>> -> memref<100000x128xf32, #tpu.memory_space<hbm>>
    tpu.wait_indirect_dma semaphore(%arg9 : memref<!tpu.dma_semaphore, #tpu.memory_space<semaphore_mem>>) src(%dma_wait3A_103 : memref<100000x128xf32, #tpu.memory_space<hbm>>) dst(%arg8 : memref<448x128xf32, #tpu.memory_space<vmem>>)
    %add3A_104 = arith.constant 2240 : i32
    %add3A_105 = arith.addi %mul3A_2, %add3A_104 : i32
    %dma_start3A_106 = arith.constant 0 : i32
    %dma_start3A_107 = tpu.memref_slice %arg4[%add3A_105, %dma_start3A_106] : memref<229376x128xf32, #tpu.memory_space<hbm>> -> memref<448x128xf32, #tpu.memory_space<hbm>>
    %dma_start3A_108 = arith.constant 0 : i32
    %dma_start3A_109 = tpu.memref_slice %arg4[%add3A_105, %dma_start3A_108] : memref<229376x128xf32, #tpu.memory_space<hbm>> -> memref<448x128xf32, #tpu.memory_space<hbm>>
    tpu.enqueue_dma source(%arg8 : memref<448x128xf32, #tpu.memory_space<vmem>>) target(%dma_start3A_109 : memref<448x128xf32, #tpu.memory_space<hbm>>) target_semaphore(%arg10 : memref<!tpu.dma_semaphore, #tpu.memory_space<semaphore_mem>>)
    %dma_wait3A_110 = arith.constant 0 : i32
    %dma_wait3A_111 = tpu.memref_slice %arg4[%add3A_105, %dma_wait3A_110] : memref<229376x128xf32, #tpu.memory_space<hbm>> -> memref<448x128xf32, #tpu.memory_space<hbm>>
    %dma_wait3A_112 = arith.constant 0 : i32
    %dma_wait3A_113 = tpu.memref_slice %arg4[%add3A_105, %dma_wait3A_112] : memref<229376x128xf32, #tpu.memory_space<hbm>> -> memref<448x128xf32, #tpu.memory_space<hbm>>
    tpu.wait_dma2 semaphore(%arg10 : memref<!tpu.dma_semaphore, #tpu.memory_space<semaphore_mem>>) src(%arg8 : memref<448x128xf32, #tpu.memory_space<vmem>>) dst(%dma_wait3A_113 : memref<448x128xf32, #tpu.memory_space<hbm>>)
    %add3A_114 = arith.constant 3136 : i32
    %add3A_115 = arith.addi %mul3A_2, %add3A_114 : i32
    "tpu.region"() ({
      %run_scoped3A = tpu.sem_alloc : memref<!tpu.dma_semaphore, #tpu.memory_space<semaphore_mem>>
      %dma_start3A_289 = tpu.memref_slice %arg3[%add3A_115] : memref<229376xi32, #tpu.memory_space<hbm>> -> memref<448xi32, #tpu.memory_space<hbm>>
      %dma_start3A_290 = tpu.memref_slice %arg3[%add3A_115] : memref<229376xi32, #tpu.memory_space<hbm>> -> memref<448xi32, #tpu.memory_space<hbm>>
      tpu.enqueue_dma source(%dma_start3A_290 : memref<448xi32, #tpu.memory_space<hbm>>) target(%arg6 : memref<448xi32, #tpu.memory_space<vmem>>) target_semaphore(%run_scoped3A : memref<!tpu.dma_semaphore, #tpu.memory_space<semaphore_mem>>)
      %dma_wait3A_291 = tpu.memref_slice %arg3[%add3A_115] : memref<229376xi32, #tpu.memory_space<hbm>> -> memref<448xi32, #tpu.memory_space<hbm>>
      %dma_wait3A_292 = tpu.memref_slice %arg3[%add3A_115] : memref<229376xi32, #tpu.memory_space<hbm>> -> memref<448xi32, #tpu.memory_space<hbm>>
      tpu.wait_dma2 semaphore(%run_scoped3A : memref<!tpu.dma_semaphore, #tpu.memory_space<semaphore_mem>>) src(%dma_wait3A_292 : memref<448xi32, #tpu.memory_space<hbm>>) dst(%arg6 : memref<448xi32, #tpu.memory_space<vmem>>)
      tpu.yield
    }) : () -> ()
    %dma_start3A_116 = arith.constant 0 : i32
    %dma_start3A_117 = arith.constant 0 : i32
    %dma_start3A_118 = tpu.memref_slice %arg2[%dma_start3A_116, %dma_start3A_117] : memref<100000x128xf32, #tpu.memory_space<hbm>> -> memref<100000x128xf32, #tpu.memory_space<hbm>>
    tpu.enqueue_indirect_dma source(%dma_start3A_118 : memref<100000x128xf32, #tpu.memory_space<hbm>>) target(%arg8 : memref<448x128xf32, #tpu.memory_space<vmem>>) offsets(%arg6 : memref<448xi32, #tpu.memory_space<vmem>>) semaphore(%arg9 : memref<!tpu.dma_semaphore, #tpu.memory_space<semaphore_mem>>)
    %dma_wait3A_119 = arith.constant 0 : i32
    %dma_wait3A_120 = arith.constant 0 : i32
    %dma_wait3A_121 = tpu.memref_slice %arg2[%dma_wait3A_119, %dma_wait3A_120] : memref<100000x128xf32, #tpu.memory_space<hbm>> -> memref<100000x128xf32, #tpu.memory_space<hbm>>
    tpu.wait_indirect_dma semaphore(%arg9 : memref<!tpu.dma_semaphore, #tpu.memory_space<semaphore_mem>>) src(%dma_wait3A_121 : memref<100000x128xf32, #tpu.memory_space<hbm>>) dst(%arg7 : memref<448x128xf32, #tpu.memory_space<vmem>>)
    %add3A_122 = arith.constant 2688 : i32
    %add3A_123 = arith.addi %mul3A_2, %add3A_122 : i32
    %dma_start3A_124 = arith.constant 0 : i32
    %dma_start3A_125 = tpu.memref_slice %arg4[%add3A_123, %dma_start3A_124] : memref<229376x128xf32, #tpu.memory_space<hbm>> -> memref<448x128xf32, #tpu.memory_space<hbm>>
    %dma_start3A_126 = arith.constant 0 : i32
    %dma_start3A_127 = tpu.memref_slice %arg4[%add3A_123, %dma_start3A_126] : memref<229376x128xf32, #tpu.memory_space<hbm>> -> memref<448x128xf32, #tpu.memory_space<hbm>>
    tpu.enqueue_dma source(%arg7 : memref<448x128xf32, #tpu.memory_space<vmem>>) target(%dma_start3A_127 : memref<448x128xf32, #tpu.memory_space<hbm>>) target_semaphore(%arg10 : memref<!tpu.dma_semaphore, #tpu.memory_space<semaphore_mem>>)
    %dma_wait3A_128 = arith.constant 0 : i32
    %dma_wait3A_129 = tpu.memref_slice %arg4[%add3A_123, %dma_wait3A_128] : memref<229376x128xf32, #tpu.memory_space<hbm>> -> memref<448x128xf32, #tpu.memory_space<hbm>>
    %dma_wait3A_130 = arith.constant 0 : i32
    %dma_wait3A_131 = tpu.memref_slice %arg4[%add3A_123, %dma_wait3A_130] : memref<229376x128xf32, #tpu.memory_space<hbm>> -> memref<448x128xf32, #tpu.memory_space<hbm>>
    tpu.wait_dma2 semaphore(%arg10 : memref<!tpu.dma_semaphore, #tpu.memory_space<semaphore_mem>>) src(%arg7 : memref<448x128xf32, #tpu.memory_space<vmem>>) dst(%dma_wait3A_131 : memref<448x128xf32, #tpu.memory_space<hbm>>)
    %add3A_132 = arith.constant 3584 : i32
    %add3A_133 = arith.addi %mul3A_2, %add3A_132 : i32
    "tpu.region"() ({
      %run_scoped3A = tpu.sem_alloc : memref<!tpu.dma_semaphore, #tpu.memory_space<semaphore_mem>>
      %dma_start3A_289 = tpu.memref_slice %arg3[%add3A_133] : memref<229376xi32, #tpu.memory_space<hbm>> -> memref<448xi32, #tpu.memory_space<hbm>>
      %dma_start3A_290 = tpu.memref_slice %arg3[%add3A_133] : memref<229376xi32, #tpu.memory_space<hbm>> -> memref<448xi32, #tpu.memory_space<hbm>>
      tpu.enqueue_dma source(%dma_start3A_290 : memref<448xi32, #tpu.memory_space<hbm>>) target(%arg5 : memref<448xi32, #tpu.memory_space<vmem>>) target_semaphore(%run_scoped3A : memref<!tpu.dma_semaphore, #tpu.memory_space<semaphore_mem>>)
      %dma_wait3A_291 = tpu.memref_slice %arg3[%add3A_133] : memref<229376xi32, #tpu.memory_space<hbm>> -> memref<448xi32, #tpu.memory_space<hbm>>
      %dma_wait3A_292 = tpu.memref_slice %arg3[%add3A_133] : memref<229376xi32, #tpu.memory_space<hbm>> -> memref<448xi32, #tpu.memory_space<hbm>>
      tpu.wait_dma2 semaphore(%run_scoped3A : memref<!tpu.dma_semaphore, #tpu.memory_space<semaphore_mem>>) src(%dma_wait3A_292 : memref<448xi32, #tpu.memory_space<hbm>>) dst(%arg5 : memref<448xi32, #tpu.memory_space<vmem>>)
      tpu.yield
    }) : () -> ()
    %dma_start3A_134 = arith.constant 0 : i32
    %dma_start3A_135 = arith.constant 0 : i32
    %dma_start3A_136 = tpu.memref_slice %arg2[%dma_start3A_134, %dma_start3A_135] : memref<100000x128xf32, #tpu.memory_space<hbm>> -> memref<100000x128xf32, #tpu.memory_space<hbm>>
    tpu.enqueue_indirect_dma source(%dma_start3A_136 : memref<100000x128xf32, #tpu.memory_space<hbm>>) target(%arg7 : memref<448x128xf32, #tpu.memory_space<vmem>>) offsets(%arg5 : memref<448xi32, #tpu.memory_space<vmem>>) semaphore(%arg9 : memref<!tpu.dma_semaphore, #tpu.memory_space<semaphore_mem>>)
    %dma_wait3A_137 = arith.constant 0 : i32
    %dma_wait3A_138 = arith.constant 0 : i32
    %dma_wait3A_139 = tpu.memref_slice %arg2[%dma_wait3A_137, %dma_wait3A_138] : memref<100000x128xf32, #tpu.memory_space<hbm>> -> memref<100000x128xf32, #tpu.memory_space<hbm>>
    tpu.wait_indirect_dma semaphore(%arg9 : memref<!tpu.dma_semaphore, #tpu.memory_space<semaphore_mem>>) src(%dma_wait3A_139 : memref<100000x128xf32, #tpu.memory_space<hbm>>) dst(%arg8 : memref<448x128xf32, #tpu.memory_space<vmem>>)
    %add3A_140 = arith.constant 3136 : i32
    %add3A_141 = arith.addi %mul3A_2, %add3A_140 : i32
    %dma_start3A_142 = arith.constant 0 : i32
    %dma_start3A_143 = tpu.memref_slice %arg4[%add3A_141, %dma_start3A_142] : memref<229376x128xf32, #tpu.memory_space<hbm>> -> memref<448x128xf32, #tpu.memory_space<hbm>>
    %dma_start3A_144 = arith.constant 0 : i32
    %dma_start3A_145 = tpu.memref_slice %arg4[%add3A_141, %dma_start3A_144] : memref<229376x128xf32, #tpu.memory_space<hbm>> -> memref<448x128xf32, #tpu.memory_space<hbm>>
    tpu.enqueue_dma source(%arg8 : memref<448x128xf32, #tpu.memory_space<vmem>>) target(%dma_start3A_145 : memref<448x128xf32, #tpu.memory_space<hbm>>) target_semaphore(%arg10 : memref<!tpu.dma_semaphore, #tpu.memory_space<semaphore_mem>>)
    %dma_wait3A_146 = arith.constant 0 : i32
    %dma_wait3A_147 = tpu.memref_slice %arg4[%add3A_141, %dma_wait3A_146] : memref<229376x128xf32, #tpu.memory_space<hbm>> -> memref<448x128xf32, #tpu.memory_space<hbm>>
    %dma_wait3A_148 = arith.constant 0 : i32
    %dma_wait3A_149 = tpu.memref_slice %arg4[%add3A_141, %dma_wait3A_148] : memref<229376x128xf32, #tpu.memory_space<hbm>> -> memref<448x128xf32, #tpu.memory_space<hbm>>
    tpu.wait_dma2 semaphore(%arg10 : memref<!tpu.dma_semaphore, #tpu.memory_space<semaphore_mem>>) src(%arg8 : memref<448x128xf32, #tpu.memory_space<vmem>>) dst(%dma_wait3A_149 : memref<448x128xf32, #tpu.memory_space<hbm>>)
    %add3A_150 = arith.constant 4032 : i32
    %add3A_151 = arith.addi %mul3A_2, %add3A_150 : i32
    "tpu.region"() ({
      %run_scoped3A = tpu.sem_alloc : memref<!tpu.dma_semaphore, #tpu.memory_space<semaphore_mem>>
      %dma_start3A_289 = tpu.memref_slice %arg3[%add3A_151] : memref<229376xi32, #tpu.memory_space<hbm>> -> memref<448xi32, #tpu.memory_space<hbm>>
      %dma_start3A_290 = tpu.memref_slice %arg3[%add3A_151] : memref<229376xi32, #tpu.memory_space<hbm>> -> memref<448xi32, #tpu.memory_space<hbm>>
      tpu.enqueue_dma source(%dma_start3A_290 : memref<448xi32, #tpu.memory_space<hbm>>) target(%arg6 : memref<448xi32, #tpu.memory_space<vmem>>) target_semaphore(%run_scoped3A : memref<!tpu.dma_semaphore, #tpu.memory_space<semaphore_mem>>)
      %dma_wait3A_291 = tpu.memref_slice %arg3[%add3A_151] : memref<229376xi32, #tpu.memory_space<hbm>> -> memref<448xi32, #tpu.memory_space<hbm>>
      %dma_wait3A_292 = tpu.memref_slice %arg3[%add3A_151] : memref<229376xi32, #tpu.memory_space<hbm>> -> memref<448xi32, #tpu.memory_space<hbm>>
      tpu.wait_dma2 semaphore(%run_scoped3A : memref<!tpu.dma_semaphore, #tpu.memory_space<semaphore_mem>>) src(%dma_wait3A_292 : memref<448xi32, #tpu.memory_space<hbm>>) dst(%arg6 : memref<448xi32, #tpu.memory_space<vmem>>)
      tpu.yield
    }) : () -> ()
    %dma_start3A_152 = arith.constant 0 : i32
    %dma_start3A_153 = arith.constant 0 : i32
    %dma_start3A_154 = tpu.memref_slice %arg2[%dma_start3A_152, %dma_start3A_153] : memref<100000x128xf32, #tpu.memory_space<hbm>> -> memref<100000x128xf32, #tpu.memory_space<hbm>>
    tpu.enqueue_indirect_dma source(%dma_start3A_154 : memref<100000x128xf32, #tpu.memory_space<hbm>>) target(%arg8 : memref<448x128xf32, #tpu.memory_space<vmem>>) offsets(%arg6 : memref<448xi32, #tpu.memory_space<vmem>>) semaphore(%arg9 : memref<!tpu.dma_semaphore, #tpu.memory_space<semaphore_mem>>)
    %dma_wait3A_155 = arith.constant 0 : i32
    %dma_wait3A_156 = arith.constant 0 : i32
    %dma_wait3A_157 = tpu.memref_slice %arg2[%dma_wait3A_155, %dma_wait3A_156] : memref<100000x128xf32, #tpu.memory_space<hbm>> -> memref<100000x128xf32, #tpu.memory_space<hbm>>
    tpu.wait_indirect_dma semaphore(%arg9 : memref<!tpu.dma_semaphore, #tpu.memory_space<semaphore_mem>>) src(%dma_wait3A_157 : memref<100000x128xf32, #tpu.memory_space<hbm>>) dst(%arg7 : memref<448x128xf32, #tpu.memory_space<vmem>>)
    %add3A_158 = arith.constant 3584 : i32
    %add3A_159 = arith.addi %mul3A_2, %add3A_158 : i32
    %dma_start3A_160 = arith.constant 0 : i32
    %dma_start3A_161 = tpu.memref_slice %arg4[%add3A_159, %dma_start3A_160] : memref<229376x128xf32, #tpu.memory_space<hbm>> -> memref<448x128xf32, #tpu.memory_space<hbm>>
    %dma_start3A_162 = arith.constant 0 : i32
    %dma_start3A_163 = tpu.memref_slice %arg4[%add3A_159, %dma_start3A_162] : memref<229376x128xf32, #tpu.memory_space<hbm>> -> memref<448x128xf32, #tpu.memory_space<hbm>>
    tpu.enqueue_dma source(%arg7 : memref<448x128xf32, #tpu.memory_space<vmem>>) target(%dma_start3A_163 : memref<448x128xf32, #tpu.memory_space<hbm>>) target_semaphore(%arg10 : memref<!tpu.dma_semaphore, #tpu.memory_space<semaphore_mem>>)
    %dma_wait3A_164 = arith.constant 0 : i32
    %dma_wait3A_165 = tpu.memref_slice %arg4[%add3A_159, %dma_wait3A_164] : memref<229376x128xf32, #tpu.memory_space<hbm>> -> memref<448x128xf32, #tpu.memory_space<hbm>>
    %dma_wait3A_166 = arith.constant 0 : i32
    %dma_wait3A_167 = tpu.memref_slice %arg4[%add3A_159, %dma_wait3A_166] : memref<229376x128xf32, #tpu.memory_space<hbm>> -> memref<448x128xf32, #tpu.memory_space<hbm>>
    tpu.wait_dma2 semaphore(%arg10 : memref<!tpu.dma_semaphore, #tpu.memory_space<semaphore_mem>>) src(%arg7 : memref<448x128xf32, #tpu.memory_space<vmem>>) dst(%dma_wait3A_167 : memref<448x128xf32, #tpu.memory_space<hbm>>)
    %add3A_168 = arith.constant 4480 : i32
    %add3A_169 = arith.addi %mul3A_2, %add3A_168 : i32
    "tpu.region"() ({
      %run_scoped3A = tpu.sem_alloc : memref<!tpu.dma_semaphore, #tpu.memory_space<semaphore_mem>>
      %dma_start3A_289 = tpu.memref_slice %arg3[%add3A_169] : memref<229376xi32, #tpu.memory_space<hbm>> -> memref<448xi32, #tpu.memory_space<hbm>>
      %dma_start3A_290 = tpu.memref_slice %arg3[%add3A_169] : memref<229376xi32, #tpu.memory_space<hbm>> -> memref<448xi32, #tpu.memory_space<hbm>>
      tpu.enqueue_dma source(%dma_start3A_290 : memref<448xi32, #tpu.memory_space<hbm>>) target(%arg5 : memref<448xi32, #tpu.memory_space<vmem>>) target_semaphore(%run_scoped3A : memref<!tpu.dma_semaphore, #tpu.memory_space<semaphore_mem>>)
      %dma_wait3A_291 = tpu.memref_slice %arg3[%add3A_169] : memref<229376xi32, #tpu.memory_space<hbm>> -> memref<448xi32, #tpu.memory_space<hbm>>
      %dma_wait3A_292 = tpu.memref_slice %arg3[%add3A_169] : memref<229376xi32, #tpu.memory_space<hbm>> -> memref<448xi32, #tpu.memory_space<hbm>>
      tpu.wait_dma2 semaphore(%run_scoped3A : memref<!tpu.dma_semaphore, #tpu.memory_space<semaphore_mem>>) src(%dma_wait3A_292 : memref<448xi32, #tpu.memory_space<hbm>>) dst(%arg5 : memref<448xi32, #tpu.memory_space<vmem>>)
      tpu.yield
    }) : () -> ()
    %dma_start3A_170 = arith.constant 0 : i32
    %dma_start3A_171 = arith.constant 0 : i32
    %dma_start3A_172 = tpu.memref_slice %arg2[%dma_start3A_170, %dma_start3A_171] : memref<100000x128xf32, #tpu.memory_space<hbm>> -> memref<100000x128xf32, #tpu.memory_space<hbm>>
    tpu.enqueue_indirect_dma source(%dma_start3A_172 : memref<100000x128xf32, #tpu.memory_space<hbm>>) target(%arg7 : memref<448x128xf32, #tpu.memory_space<vmem>>) offsets(%arg5 : memref<448xi32, #tpu.memory_space<vmem>>) semaphore(%arg9 : memref<!tpu.dma_semaphore, #tpu.memory_space<semaphore_mem>>)
    %dma_wait3A_173 = arith.constant 0 : i32
    %dma_wait3A_174 = arith.constant 0 : i32
    %dma_wait3A_175 = tpu.memref_slice %arg2[%dma_wait3A_173, %dma_wait3A_174] : memref<100000x128xf32, #tpu.memory_space<hbm>> -> memref<100000x128xf32, #tpu.memory_space<hbm>>
    tpu.wait_indirect_dma semaphore(%arg9 : memref<!tpu.dma_semaphore, #tpu.memory_space<semaphore_mem>>) src(%dma_wait3A_175 : memref<100000x128xf32, #tpu.memory_space<hbm>>) dst(%arg8 : memref<448x128xf32, #tpu.memory_space<vmem>>)
    %add3A_176 = arith.constant 4032 : i32
    %add3A_177 = arith.addi %mul3A_2, %add3A_176 : i32
    %dma_start3A_178 = arith.constant 0 : i32
    %dma_start3A_179 = tpu.memref_slice %arg4[%add3A_177, %dma_start3A_178] : memref<229376x128xf32, #tpu.memory_space<hbm>> -> memref<448x128xf32, #tpu.memory_space<hbm>>
    %dma_start3A_180 = arith.constant 0 : i32
    %dma_start3A_181 = tpu.memref_slice %arg4[%add3A_177, %dma_start3A_180] : memref<229376x128xf32, #tpu.memory_space<hbm>> -> memref<448x128xf32, #tpu.memory_space<hbm>>
    tpu.enqueue_dma source(%arg8 : memref<448x128xf32, #tpu.memory_space<vmem>>) target(%dma_start3A_181 : memref<448x128xf32, #tpu.memory_space<hbm>>) target_semaphore(%arg10 : memref<!tpu.dma_semaphore, #tpu.memory_space<semaphore_mem>>)
    %dma_wait3A_182 = arith.constant 0 : i32
    %dma_wait3A_183 = tpu.memref_slice %arg4[%add3A_177, %dma_wait3A_182] : memref<229376x128xf32, #tpu.memory_space<hbm>> -> memref<448x128xf32, #tpu.memory_space<hbm>>
    %dma_wait3A_184 = arith.constant 0 : i32
    %dma_wait3A_185 = tpu.memref_slice %arg4[%add3A_177, %dma_wait3A_184] : memref<229376x128xf32, #tpu.memory_space<hbm>> -> memref<448x128xf32, #tpu.memory_space<hbm>>
    tpu.wait_dma2 semaphore(%arg10 : memref<!tpu.dma_semaphore, #tpu.memory_space<semaphore_mem>>) src(%arg8 : memref<448x128xf32, #tpu.memory_space<vmem>>) dst(%dma_wait3A_185 : memref<448x128xf32, #tpu.memory_space<hbm>>)
    %add3A_186 = arith.constant 4928 : i32
    %add3A_187 = arith.addi %mul3A_2, %add3A_186 : i32
    "tpu.region"() ({
      %run_scoped3A = tpu.sem_alloc : memref<!tpu.dma_semaphore, #tpu.memory_space<semaphore_mem>>
      %dma_start3A_289 = tpu.memref_slice %arg3[%add3A_187] : memref<229376xi32, #tpu.memory_space<hbm>> -> memref<448xi32, #tpu.memory_space<hbm>>
      %dma_start3A_290 = tpu.memref_slice %arg3[%add3A_187] : memref<229376xi32, #tpu.memory_space<hbm>> -> memref<448xi32, #tpu.memory_space<hbm>>
      tpu.enqueue_dma source(%dma_start3A_290 : memref<448xi32, #tpu.memory_space<hbm>>) target(%arg6 : memref<448xi32, #tpu.memory_space<vmem>>) target_semaphore(%run_scoped3A : memref<!tpu.dma_semaphore, #tpu.memory_space<semaphore_mem>>)
      %dma_wait3A_291 = tpu.memref_slice %arg3[%add3A_187] : memref<229376xi32, #tpu.memory_space<hbm>> -> memref<448xi32, #tpu.memory_space<hbm>>
      %dma_wait3A_292 = tpu.memref_slice %arg3[%add3A_187] : memref<229376xi32, #tpu.memory_space<hbm>> -> memref<448xi32, #tpu.memory_space<hbm>>
      tpu.wait_dma2 semaphore(%run_scoped3A : memref<!tpu.dma_semaphore, #tpu.memory_space<semaphore_mem>>) src(%dma_wait3A_292 : memref<448xi32, #tpu.memory_space<hbm>>) dst(%arg6 : memref<448xi32, #tpu.memory_space<vmem>>)
      tpu.yield
    }) : () -> ()
    %dma_start3A_188 = arith.constant 0 : i32
    %dma_start3A_189 = arith.constant 0 : i32
    %dma_start3A_190 = tpu.memref_slice %arg2[%dma_start3A_188, %dma_start3A_189] : memref<100000x128xf32, #tpu.memory_space<hbm>> -> memref<100000x128xf32, #tpu.memory_space<hbm>>
    tpu.enqueue_indirect_dma source(%dma_start3A_190 : memref<100000x128xf32, #tpu.memory_space<hbm>>) target(%arg8 : memref<448x128xf32, #tpu.memory_space<vmem>>) offsets(%arg6 : memref<448xi32, #tpu.memory_space<vmem>>) semaphore(%arg9 : memref<!tpu.dma_semaphore, #tpu.memory_space<semaphore_mem>>)
    %dma_wait3A_191 = arith.constant 0 : i32
    %dma_wait3A_192 = arith.constant 0 : i32
    %dma_wait3A_193 = tpu.memref_slice %arg2[%dma_wait3A_191, %dma_wait3A_192] : memref<100000x128xf32, #tpu.memory_space<hbm>> -> memref<100000x128xf32, #tpu.memory_space<hbm>>
    tpu.wait_indirect_dma semaphore(%arg9 : memref<!tpu.dma_semaphore, #tpu.memory_space<semaphore_mem>>) src(%dma_wait3A_193 : memref<100000x128xf32, #tpu.memory_space<hbm>>) dst(%arg7 : memref<448x128xf32, #tpu.memory_space<vmem>>)
    %add3A_194 = arith.constant 4480 : i32
    %add3A_195 = arith.addi %mul3A_2, %add3A_194 : i32
    %dma_start3A_196 = arith.constant 0 : i32
    %dma_start3A_197 = tpu.memref_slice %arg4[%add3A_195, %dma_start3A_196] : memref<229376x128xf32, #tpu.memory_space<hbm>> -> memref<448x128xf32, #tpu.memory_space<hbm>>
    %dma_start3A_198 = arith.constant 0 : i32
    %dma_start3A_199 = tpu.memref_slice %arg4[%add3A_195, %dma_start3A_198] : memref<229376x128xf32, #tpu.memory_space<hbm>> -> memref<448x128xf32, #tpu.memory_space<hbm>>
    tpu.enqueue_dma source(%arg7 : memref<448x128xf32, #tpu.memory_space<vmem>>) target(%dma_start3A_199 : memref<448x128xf32, #tpu.memory_space<hbm>>) target_semaphore(%arg10 : memref<!tpu.dma_semaphore, #tpu.memory_space<semaphore_mem>>)
    %dma_wait3A_200 = arith.constant 0 : i32
    %dma_wait3A_201 = tpu.memref_slice %arg4[%add3A_195, %dma_wait3A_200] : memref<229376x128xf32, #tpu.memory_space<hbm>> -> memref<448x128xf32, #tpu.memory_space<hbm>>
    %dma_wait3A_202 = arith.constant 0 : i32
    %dma_wait3A_203 = tpu.memref_slice %arg4[%add3A_195, %dma_wait3A_202] : memref<229376x128xf32, #tpu.memory_space<hbm>> -> memref<448x128xf32, #tpu.memory_space<hbm>>
    tpu.wait_dma2 semaphore(%arg10 : memref<!tpu.dma_semaphore, #tpu.memory_space<semaphore_mem>>) src(%arg7 : memref<448x128xf32, #tpu.memory_space<vmem>>) dst(%dma_wait3A_203 : memref<448x128xf32, #tpu.memory_space<hbm>>)
    %add3A_204 = arith.constant 5376 : i32
    %add3A_205 = arith.addi %mul3A_2, %add3A_204 : i32
    "tpu.region"() ({
      %run_scoped3A = tpu.sem_alloc : memref<!tpu.dma_semaphore, #tpu.memory_space<semaphore_mem>>
      %dma_start3A_289 = tpu.memref_slice %arg3[%add3A_205] : memref<229376xi32, #tpu.memory_space<hbm>> -> memref<448xi32, #tpu.memory_space<hbm>>
      %dma_start3A_290 = tpu.memref_slice %arg3[%add3A_205] : memref<229376xi32, #tpu.memory_space<hbm>> -> memref<448xi32, #tpu.memory_space<hbm>>
      tpu.enqueue_dma source(%dma_start3A_290 : memref<448xi32, #tpu.memory_space<hbm>>) target(%arg5 : memref<448xi32, #tpu.memory_space<vmem>>) target_semaphore(%run_scoped3A : memref<!tpu.dma_semaphore, #tpu.memory_space<semaphore_mem>>)
      %dma_wait3A_291 = tpu.memref_slice %arg3[%add3A_205] : memref<229376xi32, #tpu.memory_space<hbm>> -> memref<448xi32, #tpu.memory_space<hbm>>
      %dma_wait3A_292 = tpu.memref_slice %arg3[%add3A_205] : memref<229376xi32, #tpu.memory_space<hbm>> -> memref<448xi32, #tpu.memory_space<hbm>>
      tpu.wait_dma2 semaphore(%run_scoped3A : memref<!tpu.dma_semaphore, #tpu.memory_space<semaphore_mem>>) src(%dma_wait3A_292 : memref<448xi32, #tpu.memory_space<hbm>>) dst(%arg5 : memref<448xi32, #tpu.memory_space<vmem>>)
      tpu.yield
    }) : () -> ()
    %dma_start3A_206 = arith.constant 0 : i32
    %dma_start3A_207 = arith.constant 0 : i32
    %dma_start3A_208 = tpu.memref_slice %arg2[%dma_start3A_206, %dma_start3A_207] : memref<100000x128xf32, #tpu.memory_space<hbm>> -> memref<100000x128xf32, #tpu.memory_space<hbm>>
    tpu.enqueue_indirect_dma source(%dma_start3A_208 : memref<100000x128xf32, #tpu.memory_space<hbm>>) target(%arg7 : memref<448x128xf32, #tpu.memory_space<vmem>>) offsets(%arg5 : memref<448xi32, #tpu.memory_space<vmem>>) semaphore(%arg9 : memref<!tpu.dma_semaphore, #tpu.memory_space<semaphore_mem>>)
    %dma_wait3A_209 = arith.constant 0 : i32
    %dma_wait3A_210 = arith.constant 0 : i32
    %dma_wait3A_211 = tpu.memref_slice %arg2[%dma_wait3A_209, %dma_wait3A_210] : memref<100000x128xf32, #tpu.memory_space<hbm>> -> memref<100000x128xf32, #tpu.memory_space<hbm>>
    tpu.wait_indirect_dma semaphore(%arg9 : memref<!tpu.dma_semaphore, #tpu.memory_space<semaphore_mem>>) src(%dma_wait3A_211 : memref<100000x128xf32, #tpu.memory_space<hbm>>) dst(%arg8 : memref<448x128xf32, #tpu.memory_space<vmem>>)
    %add3A_212 = arith.constant 4928 : i32
    %add3A_213 = arith.addi %mul3A_2, %add3A_212 : i32
    %dma_start3A_214 = arith.constant 0 : i32
    %dma_start3A_215 = tpu.memref_slice %arg4[%add3A_213, %dma_start3A_214] : memref<229376x128xf32, #tpu.memory_space<hbm>> -> memref<448x128xf32, #tpu.memory_space<hbm>>
    %dma_start3A_216 = arith.constant 0 : i32
    %dma_start3A_217 = tpu.memref_slice %arg4[%add3A_213, %dma_start3A_216] : memref<229376x128xf32, #tpu.memory_space<hbm>> -> memref<448x128xf32, #tpu.memory_space<hbm>>
    tpu.enqueue_dma source(%arg8 : memref<448x128xf32, #tpu.memory_space<vmem>>) target(%dma_start3A_217 : memref<448x128xf32, #tpu.memory_space<hbm>>) target_semaphore(%arg10 : memref<!tpu.dma_semaphore, #tpu.memory_space<semaphore_mem>>)
    %dma_wait3A_218 = arith.constant 0 : i32
    %dma_wait3A_219 = tpu.memref_slice %arg4[%add3A_213, %dma_wait3A_218] : memref<229376x128xf32, #tpu.memory_space<hbm>> -> memref<448x128xf32, #tpu.memory_space<hbm>>
    %dma_wait3A_220 = arith.constant 0 : i32
    %dma_wait3A_221 = tpu.memref_slice %arg4[%add3A_213, %dma_wait3A_220] : memref<229376x128xf32, #tpu.memory_space<hbm>> -> memref<448x128xf32, #tpu.memory_space<hbm>>
    tpu.wait_dma2 semaphore(%arg10 : memref<!tpu.dma_semaphore, #tpu.memory_space<semaphore_mem>>) src(%arg8 : memref<448x128xf32, #tpu.memory_space<vmem>>) dst(%dma_wait3A_221 : memref<448x128xf32, #tpu.memory_space<hbm>>)
    %add3A_222 = arith.constant 5824 : i32
    %add3A_223 = arith.addi %mul3A_2, %add3A_222 : i32
    "tpu.region"() ({
      %run_scoped3A = tpu.sem_alloc : memref<!tpu.dma_semaphore, #tpu.memory_space<semaphore_mem>>
      %dma_start3A_289 = tpu.memref_slice %arg3[%add3A_223] : memref<229376xi32, #tpu.memory_space<hbm>> -> memref<448xi32, #tpu.memory_space<hbm>>
      %dma_start3A_290 = tpu.memref_slice %arg3[%add3A_223] : memref<229376xi32, #tpu.memory_space<hbm>> -> memref<448xi32, #tpu.memory_space<hbm>>
      tpu.enqueue_dma source(%dma_start3A_290 : memref<448xi32, #tpu.memory_space<hbm>>) target(%arg6 : memref<448xi32, #tpu.memory_space<vmem>>) target_semaphore(%run_scoped3A : memref<!tpu.dma_semaphore, #tpu.memory_space<semaphore_mem>>)
      %dma_wait3A_291 = tpu.memref_slice %arg3[%add3A_223] : memref<229376xi32, #tpu.memory_space<hbm>> -> memref<448xi32, #tpu.memory_space<hbm>>
      %dma_wait3A_292 = tpu.memref_slice %arg3[%add3A_223] : memref<229376xi32, #tpu.memory_space<hbm>> -> memref<448xi32, #tpu.memory_space<hbm>>
      tpu.wait_dma2 semaphore(%run_scoped3A : memref<!tpu.dma_semaphore, #tpu.memory_space<semaphore_mem>>) src(%dma_wait3A_292 : memref<448xi32, #tpu.memory_space<hbm>>) dst(%arg6 : memref<448xi32, #tpu.memory_space<vmem>>)
      tpu.yield
    }) : () -> ()
    %dma_start3A_224 = arith.constant 0 : i32
    %dma_start3A_225 = arith.constant 0 : i32
    %dma_start3A_226 = tpu.memref_slice %arg2[%dma_start3A_224, %dma_start3A_225] : memref<100000x128xf32, #tpu.memory_space<hbm>> -> memref<100000x128xf32, #tpu.memory_space<hbm>>
    tpu.enqueue_indirect_dma source(%dma_start3A_226 : memref<100000x128xf32, #tpu.memory_space<hbm>>) target(%arg8 : memref<448x128xf32, #tpu.memory_space<vmem>>) offsets(%arg6 : memref<448xi32, #tpu.memory_space<vmem>>) semaphore(%arg9 : memref<!tpu.dma_semaphore, #tpu.memory_space<semaphore_mem>>)
    %dma_wait3A_227 = arith.constant 0 : i32
    %dma_wait3A_228 = arith.constant 0 : i32
    %dma_wait3A_229 = tpu.memref_slice %arg2[%dma_wait3A_227, %dma_wait3A_228] : memref<100000x128xf32, #tpu.memory_space<hbm>> -> memref<100000x128xf32, #tpu.memory_space<hbm>>
    tpu.wait_indirect_dma semaphore(%arg9 : memref<!tpu.dma_semaphore, #tpu.memory_space<semaphore_mem>>) src(%dma_wait3A_229 : memref<100000x128xf32, #tpu.memory_space<hbm>>) dst(%arg7 : memref<448x128xf32, #tpu.memory_space<vmem>>)
    %add3A_230 = arith.constant 5376 : i32
    %add3A_231 = arith.addi %mul3A_2, %add3A_230 : i32
    %dma_start3A_232 = arith.constant 0 : i32
    %dma_start3A_233 = tpu.memref_slice %arg4[%add3A_231, %dma_start3A_232] : memref<229376x128xf32, #tpu.memory_space<hbm>> -> memref<448x128xf32, #tpu.memory_space<hbm>>
    %dma_start3A_234 = arith.constant 0 : i32
    %dma_start3A_235 = tpu.memref_slice %arg4[%add3A_231, %dma_start3A_234] : memref<229376x128xf32, #tpu.memory_space<hbm>> -> memref<448x128xf32, #tpu.memory_space<hbm>>
    tpu.enqueue_dma source(%arg7 : memref<448x128xf32, #tpu.memory_space<vmem>>) target(%dma_start3A_235 : memref<448x128xf32, #tpu.memory_space<hbm>>) target_semaphore(%arg10 : memref<!tpu.dma_semaphore, #tpu.memory_space<semaphore_mem>>)
    %dma_wait3A_236 = arith.constant 0 : i32
    %dma_wait3A_237 = tpu.memref_slice %arg4[%add3A_231, %dma_wait3A_236] : memref<229376x128xf32, #tpu.memory_space<hbm>> -> memref<448x128xf32, #tpu.memory_space<hbm>>
    %dma_wait3A_238 = arith.constant 0 : i32
    %dma_wait3A_239 = tpu.memref_slice %arg4[%add3A_231, %dma_wait3A_238] : memref<229376x128xf32, #tpu.memory_space<hbm>> -> memref<448x128xf32, #tpu.memory_space<hbm>>
    tpu.wait_dma2 semaphore(%arg10 : memref<!tpu.dma_semaphore, #tpu.memory_space<semaphore_mem>>) src(%arg7 : memref<448x128xf32, #tpu.memory_space<vmem>>) dst(%dma_wait3A_239 : memref<448x128xf32, #tpu.memory_space<hbm>>)
    %add3A_240 = arith.constant 6272 : i32
    %add3A_241 = arith.addi %mul3A_2, %add3A_240 : i32
    "tpu.region"() ({
      %run_scoped3A = tpu.sem_alloc : memref<!tpu.dma_semaphore, #tpu.memory_space<semaphore_mem>>
      %dma_start3A_289 = tpu.memref_slice %arg3[%add3A_241] : memref<229376xi32, #tpu.memory_space<hbm>> -> memref<448xi32, #tpu.memory_space<hbm>>
      %dma_start3A_290 = tpu.memref_slice %arg3[%add3A_241] : memref<229376xi32, #tpu.memory_space<hbm>> -> memref<448xi32, #tpu.memory_space<hbm>>
      tpu.enqueue_dma source(%dma_start3A_290 : memref<448xi32, #tpu.memory_space<hbm>>) target(%arg5 : memref<448xi32, #tpu.memory_space<vmem>>) target_semaphore(%run_scoped3A : memref<!tpu.dma_semaphore, #tpu.memory_space<semaphore_mem>>)
      %dma_wait3A_291 = tpu.memref_slice %arg3[%add3A_241] : memref<229376xi32, #tpu.memory_space<hbm>> -> memref<448xi32, #tpu.memory_space<hbm>>
      %dma_wait3A_292 = tpu.memref_slice %arg3[%add3A_241] : memref<229376xi32, #tpu.memory_space<hbm>> -> memref<448xi32, #tpu.memory_space<hbm>>
      tpu.wait_dma2 semaphore(%run_scoped3A : memref<!tpu.dma_semaphore, #tpu.memory_space<semaphore_mem>>) src(%dma_wait3A_292 : memref<448xi32, #tpu.memory_space<hbm>>) dst(%arg5 : memref<448xi32, #tpu.memory_space<vmem>>)
      tpu.yield
    }) : () -> ()
    %dma_start3A_242 = arith.constant 0 : i32
    %dma_start3A_243 = arith.constant 0 : i32
    %dma_start3A_244 = tpu.memref_slice %arg2[%dma_start3A_242, %dma_start3A_243] : memref<100000x128xf32, #tpu.memory_space<hbm>> -> memref<100000x128xf32, #tpu.memory_space<hbm>>
    tpu.enqueue_indirect_dma source(%dma_start3A_244 : memref<100000x128xf32, #tpu.memory_space<hbm>>) target(%arg7 : memref<448x128xf32, #tpu.memory_space<vmem>>) offsets(%arg5 : memref<448xi32, #tpu.memory_space<vmem>>) semaphore(%arg9 : memref<!tpu.dma_semaphore, #tpu.memory_space<semaphore_mem>>)
    %dma_wait3A_245 = arith.constant 0 : i32
    %dma_wait3A_246 = arith.constant 0 : i32
    %dma_wait3A_247 = tpu.memref_slice %arg2[%dma_wait3A_245, %dma_wait3A_246] : memref<100000x128xf32, #tpu.memory_space<hbm>> -> memref<100000x128xf32, #tpu.memory_space<hbm>>
    tpu.wait_indirect_dma semaphore(%arg9 : memref<!tpu.dma_semaphore, #tpu.memory_space<semaphore_mem>>) src(%dma_wait3A_247 : memref<100000x128xf32, #tpu.memory_space<hbm>>) dst(%arg8 : memref<448x128xf32, #tpu.memory_space<vmem>>)
    %add3A_248 = arith.constant 5824 : i32
    %add3A_249 = arith.addi %mul3A_2, %add3A_248 : i32
    %dma_start3A_250 = arith.constant 0 : i32
    %dma_start3A_251 = tpu.memref_slice %arg4[%add3A_249, %dma_start3A_250] : memref<229376x128xf32, #tpu.memory_space<hbm>> -> memref<448x128xf32, #tpu.memory_space<hbm>>
    %dma_start3A_252 = arith.constant 0 : i32
    %dma_start3A_253 = tpu.memref_slice %arg4[%add3A_249, %dma_start3A_252] : memref<229376x128xf32, #tpu.memory_space<hbm>> -> memref<448x128xf32, #tpu.memory_space<hbm>>
    tpu.enqueue_dma source(%arg8 : memref<448x128xf32, #tpu.memory_space<vmem>>) target(%dma_start3A_253 : memref<448x128xf32, #tpu.memory_space<hbm>>) target_semaphore(%arg10 : memref<!tpu.dma_semaphore, #tpu.memory_space<semaphore_mem>>)
    %dma_wait3A_254 = arith.constant 0 : i32
    %dma_wait3A_255 = tpu.memref_slice %arg4[%add3A_249, %dma_wait3A_254] : memref<229376x128xf32, #tpu.memory_space<hbm>> -> memref<448x128xf32, #tpu.memory_space<hbm>>
    %dma_wait3A_256 = arith.constant 0 : i32
    %dma_wait3A_257 = tpu.memref_slice %arg4[%add3A_249, %dma_wait3A_256] : memref<229376x128xf32, #tpu.memory_space<hbm>> -> memref<448x128xf32, #tpu.memory_space<hbm>>
    tpu.wait_dma2 semaphore(%arg10 : memref<!tpu.dma_semaphore, #tpu.memory_space<semaphore_mem>>) src(%arg8 : memref<448x128xf32, #tpu.memory_space<vmem>>) dst(%dma_wait3A_257 : memref<448x128xf32, #tpu.memory_space<hbm>>)
    %add3A_258 = arith.constant 6720 : i32
    %add3A_259 = arith.addi %mul3A_2, %add3A_258 : i32
    "tpu.region"() ({
      %run_scoped3A = tpu.sem_alloc : memref<!tpu.dma_semaphore, #tpu.memory_space<semaphore_mem>>
      %dma_start3A_289 = tpu.memref_slice %arg3[%add3A_259] : memref<229376xi32, #tpu.memory_space<hbm>> -> memref<448xi32, #tpu.memory_space<hbm>>
      %dma_start3A_290 = tpu.memref_slice %arg3[%add3A_259] : memref<229376xi32, #tpu.memory_space<hbm>> -> memref<448xi32, #tpu.memory_space<hbm>>
      tpu.enqueue_dma source(%dma_start3A_290 : memref<448xi32, #tpu.memory_space<hbm>>) target(%arg6 : memref<448xi32, #tpu.memory_space<vmem>>) target_semaphore(%run_scoped3A : memref<!tpu.dma_semaphore, #tpu.memory_space<semaphore_mem>>)
      %dma_wait3A_291 = tpu.memref_slice %arg3[%add3A_259] : memref<229376xi32, #tpu.memory_space<hbm>> -> memref<448xi32, #tpu.memory_space<hbm>>
      %dma_wait3A_292 = tpu.memref_slice %arg3[%add3A_259] : memref<229376xi32, #tpu.memory_space<hbm>> -> memref<448xi32, #tpu.memory_space<hbm>>
      tpu.wait_dma2 semaphore(%run_scoped3A : memref<!tpu.dma_semaphore, #tpu.memory_space<semaphore_mem>>) src(%dma_wait3A_292 : memref<448xi32, #tpu.memory_space<hbm>>) dst(%arg6 : memref<448xi32, #tpu.memory_space<vmem>>)
      tpu.yield
    }) : () -> ()
    %dma_start3A_260 = arith.constant 0 : i32
    %dma_start3A_261 = arith.constant 0 : i32
    %dma_start3A_262 = tpu.memref_slice %arg2[%dma_start3A_260, %dma_start3A_261] : memref<100000x128xf32, #tpu.memory_space<hbm>> -> memref<100000x128xf32, #tpu.memory_space<hbm>>
    tpu.enqueue_indirect_dma source(%dma_start3A_262 : memref<100000x128xf32, #tpu.memory_space<hbm>>) target(%arg8 : memref<448x128xf32, #tpu.memory_space<vmem>>) offsets(%arg6 : memref<448xi32, #tpu.memory_space<vmem>>) semaphore(%arg9 : memref<!tpu.dma_semaphore, #tpu.memory_space<semaphore_mem>>)
    %dma_wait3A_263 = arith.constant 0 : i32
    %dma_wait3A_264 = arith.constant 0 : i32
    %dma_wait3A_265 = tpu.memref_slice %arg2[%dma_wait3A_263, %dma_wait3A_264] : memref<100000x128xf32, #tpu.memory_space<hbm>> -> memref<100000x128xf32, #tpu.memory_space<hbm>>
    tpu.wait_indirect_dma semaphore(%arg9 : memref<!tpu.dma_semaphore, #tpu.memory_space<semaphore_mem>>) src(%dma_wait3A_265 : memref<100000x128xf32, #tpu.memory_space<hbm>>) dst(%arg7 : memref<448x128xf32, #tpu.memory_space<vmem>>)
    %add3A_266 = arith.constant 6272 : i32
    %add3A_267 = arith.addi %mul3A_2, %add3A_266 : i32
    %dma_start3A_268 = arith.constant 0 : i32
    %dma_start3A_269 = tpu.memref_slice %arg4[%add3A_267, %dma_start3A_268] : memref<229376x128xf32, #tpu.memory_space<hbm>> -> memref<448x128xf32, #tpu.memory_space<hbm>>
    %dma_start3A_270 = arith.constant 0 : i32
    %dma_start3A_271 = tpu.memref_slice %arg4[%add3A_267, %dma_start3A_270] : memref<229376x128xf32, #tpu.memory_space<hbm>> -> memref<448x128xf32, #tpu.memory_space<hbm>>
    tpu.enqueue_dma source(%arg7 : memref<448x128xf32, #tpu.memory_space<vmem>>) target(%dma_start3A_271 : memref<448x128xf32, #tpu.memory_space<hbm>>) target_semaphore(%arg10 : memref<!tpu.dma_semaphore, #tpu.memory_space<semaphore_mem>>)
    %dma_wait3A_272 = arith.constant 0 : i32
    %dma_wait3A_273 = arith.constant 0 : i32
    %dma_wait3A_274 = tpu.memref_slice %arg2[%dma_wait3A_272, %dma_wait3A_273] : memref<100000x128xf32, #tpu.memory_space<hbm>> -> memref<100000x128xf32, #tpu.memory_space<hbm>>
    tpu.wait_indirect_dma semaphore(%arg9 : memref<!tpu.dma_semaphore, #tpu.memory_space<semaphore_mem>>) src(%dma_wait3A_274 : memref<100000x128xf32, #tpu.memory_space<hbm>>) dst(%arg8 : memref<448x128xf32, #tpu.memory_space<vmem>>)
    %add3A_275 = arith.constant 6720 : i32
    %add3A_276 = arith.addi %mul3A_2, %add3A_275 : i32
    %dma_start3A_277 = arith.constant 0 : i32
    %dma_start3A_278 = tpu.memref_slice %arg4[%add3A_276, %dma_start3A_277] : memref<229376x128xf32, #tpu.memory_space<hbm>> -> memref<448x128xf32, #tpu.memory_space<hbm>>
    %dma_start3A_279 = arith.constant 0 : i32
    %dma_start3A_280 = tpu.memref_slice %arg4[%add3A_276, %dma_start3A_279] : memref<229376x128xf32, #tpu.memory_space<hbm>> -> memref<448x128xf32, #tpu.memory_space<hbm>>
    tpu.enqueue_dma source(%arg8 : memref<448x128xf32, #tpu.memory_space<vmem>>) target(%dma_start3A_280 : memref<448x128xf32, #tpu.memory_space<hbm>>) target_semaphore(%arg10 : memref<!tpu.dma_semaphore, #tpu.memory_space<semaphore_mem>>)
    %dma_wait3A_281 = arith.constant 0 : i32
    %dma_wait3A_282 = tpu.memref_slice %arg4[%add3A_267, %dma_wait3A_281] : memref<229376x128xf32, #tpu.memory_space<hbm>> -> memref<448x128xf32, #tpu.memory_space<hbm>>
    %dma_wait3A_283 = arith.constant 0 : i32
    %dma_wait3A_284 = tpu.memref_slice %arg4[%add3A_267, %dma_wait3A_283] : memref<229376x128xf32, #tpu.memory_space<hbm>> -> memref<448x128xf32, #tpu.memory_space<hbm>>
    tpu.wait_dma2 semaphore(%arg10 : memref<!tpu.dma_semaphore, #tpu.memory_space<semaphore_mem>>) src(%arg7 : memref<448x128xf32, #tpu.memory_space<vmem>>) dst(%dma_wait3A_284 : memref<448x128xf32, #tpu.memory_space<hbm>>)
    %dma_wait3A_285 = arith.constant 0 : i32
    %dma_wait3A_286 = tpu.memref_slice %arg4[%add3A_276, %dma_wait3A_285] : memref<229376x128xf32, #tpu.memory_space<hbm>> -> memref<448x128xf32, #tpu.memory_space<hbm>>
    %dma_wait3A_287 = arith.constant 0 : i32
    %dma_wait3A_288 = tpu.memref_slice %arg4[%add3A_276, %dma_wait3A_287] : memref<229376x128xf32, #tpu.memory_space<hbm>> -> memref<448x128xf32, #tpu.memory_space<hbm>>
    tpu.wait_dma2 semaphore(%arg10 : memref<!tpu.dma_semaphore, #tpu.memory_space<semaphore_mem>>) src(%arg8 : memref<448x128xf32, #tpu.memory_space<vmem>>) dst(%dma_wait3A_288 : memref<448x128xf32, #tpu.memory_space<hbm>>)
    return
  }
}

</mosaic_0001>

<sc_bundles>
// kernel: kernel.3.cloned.1.call-start
scs
__scs_entry_jumppad:
0x0: {  	(pc) =	sbr.rel $0x88, $3  }
0x1: {  	(tag) =	ssettag $0x0;
	lr =	simm.s32 $0x1  }
0x2: {  	[smem:$0x3F9F] =	sst lr;
	_ =	strace $0xD0000000  }
0x3: {  	_ = 	snop  }
0x4: {  	_ = 	snop  }
0x5: {  	_ = 	snop  }
0x6: {  	_ = 	snop  }
0x7: {  	_ = 	snop  }
__scs_overlays_trampoline_lowered:
0x8: {  	[smem:$0x3FAE] =	sst s0  }
0x9: {  	[smem:$0x3FAF] =	sst s1  }
0xa: {  	[smem:$0x3FB0] =	sst s2  }
0xb: {  	[smem:$0x3FB1] =	sst s3  }
0xc: {  	[smem:$0x3FB2] =	sst s4  }
0xd: {  	[smem:$0x3FB3] =	sst s5  }
0xe: {  	[smem:$0x3FB4] =	sst s6  }
0xf: {  	[smem:$0x3FB5] =	sst s7  }
0x10: {  	[smem:$0x3FB6] =	sst s8  }
0x11: {  	[smem:$0x3FB7] =	sst s9;
	s0 =	simm.s32 @!p0 $0x0  }
0x12: {  	s1 =	sld [smem:$0x3F9D];
	s0 =	simm.s32 @p0 $0x1  }
0x13: {  	[smem:$0x3FB8] =	sst s0;
	s0 =	simm.s32 @!p1 $0x0  }
0x14: {  	s2 =	sld [smem:$0x3F9C];
	s0 =	simm.s32 @p1 $0x1  }
0x15: {  	[smem:$0x3FB9] =	sst s0;
	s0 =	simm.s32 @!p2 $0x0  }
0x16: {  	s3 =	sld [smem:$0x3FDB];
	s0 =	simm.s32 @p2 $0x1  }
0x17: {  	s4 =	simm.s32 $0x1BF5;
	[smem:$0x3FBB] =	sst s0  }
0x18: {  	s0 =	sld [smem:$0x3F9E];
	_ =	swait.ge [sflag:s4], $0x0  }
0x19: {  	s7 =	sld [smem:$0x3F9F]  }
0x1a: {  	s8 =	sadd.s32 $0xFFFFE003, lr  }
0x1b: {  	s9 =	sadd.s32 $0xFFFFFEF7, lr;
	s5 =	simm.s32 $0xFFFFFFFF;
	p2 =	slt.u32 s8, $0xFFFFF086  }
0x1c: {  	p1 =	slt.u32 s9, $0xF7A;
	s5 =	simm.s32 @!p2 $0x0  }
0x1d: {  	s5 =	simm.s32 @p1 $0x1;
	p0 =	seq.s32 s7, s2  }
0x1e: {  	s7 =	smul.u32 @!p0 $0xF7A, s2;
	p2 =	seq.s32 @!p0 s5, $0x0  }
0x1f: {  	s9 =	smul.u32 $0xF7A, s1;
	s8 =	simm.s32 @!p0 $0x1BF5;
	p2 =	por !p2, p0  }
0x20: {  	[sflag:s8] =	ssyncset.s32 @!p0 $0xFFFFF086;
	s6 =	sadd.s32 @!p0 s3, s7;
	s7 =	simm.s32 @!p0 $0x108  }
0x21: {  	s3 =	sadd.s32 s3, s9;
	s6 =	sadd.s32 @!p0 $0x88, s6;
	s7 =	simm.s32 @p2 $0x1082  }
0x22: {  	[simem:s7], [sflag:s8] =	dma.local @!p0 [hbm:s6], $0xF7A  }
0x23: {  	s9 =	sor.u32 $0xD0000000, s2;
	s6 =	simm.s32 $0x108;
	_ =	swait.ge @!p0 [sflag:s8], $0x0  }
0x24: {  	s3 =	sadd.s32 $0x88, s3;
	s6 =	simm.s32 @!p1 $0x1082;
	[sflag:s4] =	ssyncset.s32 $0xFFFFF086  }
0x25: {  	[simem:s6], [sflag:s4] =	dma.local [hbm:s3], $0xF7A  }
0x26: {  	[smem:$0x3F9F] =	sst s1;
	(tag) =	ssettag s2;
	_ =	strace s9  }
0x27: {  	s1 =	sld [smem:$0x3FAF]  }
0x28: {  	s2 =	sld [smem:$0x3FB0]  }
0x29: {  	s4 =	sld [smem:$0x3FB2]  }
0x2a: {  	p0 =	seq.s32 s5, $0x0;
	s5 =	sld [smem:$0x3FB3]  }
0x2b: {  	s6 =	sld [smem:$0x3FB4]  }
0x2c: {  	s7 =	sld [smem:$0x3FB5]  }
0x2d: {  	s3 =	simm.s32 $0x108;
	s8 =	sld [smem:$0x3FB6]  }
0x2e: {  	s3 =	simm.s32 @!p0 $0x1082;
	s9 =	sld [smem:$0x3FB7]  }
0x2f: {  	lr =	sadd.s32 s0, s3;
	s0 =	sld [smem:$0x3FAE]  }
0x30: {  	s3 =	sld [smem:$0x3FB1]  }
0x31: {  	[smem:$0x3FBA] =	sst s10  }
0x32: {  	s10 =	sld [smem:$0x3FB8];
	_ =	sdelay $0x3  }
0x33: {  	p0 =	seq.s32 s10, $0x1;
	s10 =	sld [smem:$0x3FBA];
	_ =	sdelay $0x3  }
0x34: {  	[smem:$0x3FBA] =	sst s10  }
0x35: {  	s10 =	sld [smem:$0x3FB9];
	_ =	sdelay $0x3  }
0x36: {  	p1 =	seq.s32 s10, $0x1;
	s10 =	sld [smem:$0x3FBA];
	_ =	sdelay $0x3  }
0x37: {  	[smem:$0x3FBA] =	sst s10  }
0x38: {  	s10 =	sld [smem:$0x3FBB]  }
0x39: {  	_ = 	snop;
	(pc) =	sbr.ind lr, $3  }
0x3a: {  	_ = 	snop  }
0x3b: {  	_ = 	snop  }
0x3c: {  	p2 =	seq.s32 s10, $0x1;
	s10 =	sld [smem:$0x3FBA]  }
0x3d: {  	_ =	shalt  }
0x3e: {  	_ =	shalt  }
0x3f: {  	_ =	shalt  }
0x40: {  	_ =	shalt  }
0x41: {  	_ =	shalt  }
0x42: {  	_ =	shalt  }
0x43: {  	_ =	shalt  }
0x44: {  	_ =	shalt  }
0x45: {  	_ =	shalt  }
0x46: {  	_ =	shalt  }
0x47: {  	_ =	shalt  }
0x48: {  	_ =	shalt  }
0x49: {  	_ =	shalt  }
0x4a: {  	_ =	shalt  }
0x4b: {  	_ =	shalt  }
0x4c: {  	_ =	shalt  }
0x4d: {  	_ =	shalt  }
0x4e: {  	_ =	shalt  }
0x4f: {  	_ =	shalt  }
0x50: {  	_ =	shalt  }
0x51: {  	_ =	shalt  }
0x52: {  	_ =	shalt  }
0x53: {  	_ =	shalt  }
0x54: {  	_ =	shalt  }
0x55: {  	_ =	shalt  }
0x56: {  	_ =	shalt  }
0x57: {  	_ =	shalt  }
0x58: {  	_ =	shalt  }
0x59: {  	_ =	shalt  }
0x5a: {  	_ =	shalt  }
0x5b: {  	_ =	shalt  }
0x5c: {  	_ =	shalt  }
0x5d: {  	_ =	shalt  }
0x5e: {  	_ =	shalt  }
0x5f: {  	_ =	shalt  }
0x60: {  	_ =	shalt  }
0x61: {  	_ =	shalt  }
0x62: {  	_ =	shalt  }
0x63: {  	_ =	shalt  }
0x64: {  	_ =	shalt  }
0x65: {  	_ =	shalt  }
0x66: {  	_ =	shalt  }
0x67: {  	_ =	shalt  }
0x68: {  	_ =	shalt  }
0x69: {  	_ =	shalt  }
0x6a: {  	_ =	shalt  }
0x6b: {  	_ =	shalt  }
0x6c: {  	_ =	shalt  }
0x6d: {  	_ =	shalt  }
0x6e: {  	_ =	shalt  }
0x6f: {  	_ =	shalt  }
0x70: {  	_ =	shalt  }
0x71: {  	_ =	shalt  }
0x72: {  	_ =	shalt  }
0x73: {  	_ =	shalt  }
0x74: {  	_ =	shalt  }
0x75: {  	_ =	shalt  }
0x76: {  	_ =	shalt  }
0x77: {  	_ =	shalt  }
0x78: {  	_ =	shalt  }
0x79: {  	_ =	shalt  }
0x7a: {  	_ =	shalt  }
0x7b: {  	_ =	shalt  }
0x7c: {  	_ =	shalt  }
0x7d: {  	_ =	shalt  }
0x7e: {  	_ =	shalt  }
0x7f: {  	_ =	shalt  }
0x80: {  	_ =	shalt  }
0x81: {  	_ =	shalt  }
0x82: {  	_ =	shalt  }
0x83: {  	_ =	shalt  }
0x84: {  	_ =	shalt  }
0x85: {  	_ =	shalt  }
0x86: {  	_ =	shalt  }
0x87: {  	_ =	shalt  }
.Lfunc_end0:
.L_simem_size_0:
called_computation.1_lowered:
.L_overlay_start_0:
0x88: {  	s2 =	sld [smem:$0x3FD9]  }
0x89: {  	s3 =	sld [smem:$0x3FFE];
	_ =	sdelay $0x1  }
0x8a: {  	s1 =	srdreg.scid  }
0x8b: {  	s0 =	sand.u32 $0x1, s1  }
0x8c: {  	s17 =	sshll.u32 s0, $0xA;
	s2 =	sadd.s32 s3, s2  }
0x8d: {  	s2 =	sadd.s32 s2, s17  }
0x8e: {  	[smem:$0x3FC6] =	sst s2  }
0x8f: {  	_ = 	snop  }
0x90: {  	s2 =	sld [smem:$0x3FC8]  }
0x91: {  	s18 =	sld [smem:$0x3FD0];
	(tm) =	ssettm $0x1  }
0x92: {  	s4 =	sld [smem:$0x3FFB];
	_ =	sdelay $0x3  }
0x93: {  	_ =	strace s4  }
0x94: {  	s4 =	sld [smem:$0x3FFC];
	_ =	sdelay $0x3  }
0x95: {  	_ =	strace s4  }
0x96: {  	s4 =	sld [smem:$0x3FFD];
	_ =	sdelay $0x3  }
0x97: {  	_ =	strace s4  }
0x98: {  	_ =	strace $0x8FFFFFFF  }
0x99: {  	s19 =	sld [smem:$0x3FDB];
	_ =	sdelay $0x1  }
0x9a: {  	s5 =	simm.s32 $_scs_section_size  }
0x9b: {  	s6 =	simm.s32 $_size__tile_overlayer_lowered;
	s7 =	simm.s32 $_tile_overlayer_lowered  }
0x9c: {  	s22 =	simm.s32 $0x1BFF;
	s21 =	sshll.u32 s7, $0x1;
	s4 =	sadd.s32 s5, s19  }
0x9d: {  	s8 =	simm.s32 $0x0;
	s20 =	sshll.u32 s6, $0x1;
	s6 =	sadd.s32 s21, s4  }
0x9e: {  	[timem:s8], [sflag:s22] =	dma.local [hbm:s6], s20  }
0x9f: {  	_ =	swait.ge [sflag:s22], s20  }
0xa0: {  	s5 =	ssub.s32 $0x0, s20;
	[sflag:s22] =	ssyncset.done $0x0  }
0xa1: {  	[sflag:s22] =	ssyncadd.s32 s5;
	_ =	sdelay $0x1  }
0xa2: {  	s23 =	simm.s32 $0x1B8B  }
0xa3: {  	_ =	swait.ge [sflag:s23], $0x1  }
0xa4: {  	[sflag:s23] =	ssyncset.done $0x0  }
0xa5: {  	s25 =	simm.s32 $0x1B8E;
	s24 =	sld [smem:$0x3FFE];
	[sflag:s23] =	ssyncadd.s32 $0xFFFFFFFF  }
0xa6: {  	s26 =	simm.s32 $execute0_lowered;
	[smem:$0x3FD2] =	sst s25  }
0xa7: {  	s6 =	sshll.u32 s26, $0x1;
	_ =	strace $0x80000046;
	[dreg:$0x1] =	wrdreg $0xFFFFFFFF  }
0xa8: {  	s28 =	simm.s32 $_size_execute0_lowered;
	s4 =	sadd.s32 s4, s6;
	[dreg:$0x0] =	wrdreg $0x0  }
0xa9: {  	s6 =	sshll.u32 s28, $0x1;
	[dreg:$0x2] =	wrdreg s4  }
0xaa: {  	[dreg:$0x3] =	wrdreg s6  }
0xab: {  	[dreg:$0x4] =	wrdreg $0xC0  }
0xac: {  	_ =	task [dreg:s8], $0x5FFFF  }
0xad: {  	[dreg:$0x1] =	wrdreg $0xFFFFFFFF  }
0xae: {  	[dreg:$0x0] =	wrdreg $0x60  }
0xaf: {  	[dreg:$0x2] =	wrdreg s2  }
0xb0: {  	[dreg:$0x3] =	wrdreg s18  }
0xb1: {  	[dreg:$0x4] =	wrdreg s24  }
0xb2: {  	[dreg:$0x5] =	wrdreg $0x9  }
0xb3: {  	_ =	task.clear_ibuf [dreg:s8], $0x6FFFF;
	_ =	strace $0x90000046  }
0xb4: {  	s29 =	simm.s32 $0x9;
	_ =	strace $0x80000048  }
0xb5: {  	_ =	swait.ge [sflag:s29], $0x1  }
0xb6: {  	[sflag:s29] =	ssyncadd.s32 $0xFFFFFFFF  }
0xb7: {  	_ =	strace $0x90000048  }
0xb8: {  	_ =	sfence  }
0xb9: {  	s30 =	sld [smem:$0x0];
	_ =	sdelay $0x2  }
0xba: {  	s31 =	sshll.u32 s1, $0xD;
	s1 =	sshrl.u32 s1, $0x2  }
0xbb: {  	s3 =	sand.u32 $0x4000, s31;
	s1 =	sadd.s32 s1, s30  }
0xbc: {  	s0 =	sor.u32 s3, s0;
	s1 =	sshll.u32 s1, $0x11  }
0xbd: {  	s0 =	sor.u32 s1, s0  }
0xbe: {  	s0 =	sadd.s32 $0x8F2B, s0  }
0xbf: {  	[sflag:s0] =	ssyncadd.remote.s32 $0x1  }
0xc0: {  	_ =	sfence.sel $0xFFFF  }
0xc1: {  	[dreg:$0x0] =	wrdreg $0xFFFFFFFF;
	(pc) =	sbr.abs _section_cstart, $3  }
0xc2: {  	[dreg:$0x1] =	wrdreg $0xFFFFFFFF  }
0xc3: {  	_ =	task.clear_ibuf [dreg:s8], $0x2FFFF;
	_ =	strace $0x9FFFFFFF  }
0xc4: {  	(tm) =	ssettm $0x7FFFFFFF  }
0xc5: {  	_ =	shalt  }
tec
execute0_lowered:
.L_overlay_start_1:
0x0: {  	(tag) =	ssettag $0x1  }
0x1: {  	s2 =	srdreg.scid;
	s0 =	stileid.u32  }
0x2: {  	s1 =	rddreg [dreg:$0x0];
	s2 =	sand.u32 $0x1, s2;
	s3 =	sshll.u32 s0, $0x1  }
0x3: {  	s4 =	rddreg [dreg:$0x2];
	s5 =	sor.u32 s2, s3  }
0x4: {  	[dreg:$0x10] =	wrdreg s2;
	s3 =	simm.s32 $0x0;
	s30 =	smul.u32 $0x1C00, s5  }
0x5: {  	[smem:$0x7FF] =	sst s3;
	s5 =	smul.u32 $0x1C000, s5  }
0x6: {  	s29 =	rddreg [dreg:$0x1];
	s31 =	sadd.s32 $0x800, s4;
	_ =	strace $0x80000047  }
0x7: {  	s6 =	sshrl.u32 s30, $0x3;
	s7 =	sor.u32 $0x1C0, s30;
	s19 =	sadd.s32 s31, s5  }
0x8: {  	s20 =	sor.u32 $0x380, s30;
	s23 =	sadd.s32 $0x540, s30;
	s11 =	sadd.s32 $0x8C0, s30  }
0x9: {  	s6 =	sadd.s32 s29, s6;
	s8 =	sshrl.u32 s7, $0x3;
	[dreg:$0x6] =	wrdreg s19  }
0xa: {  	s21 =	sshrl.u32 s20, $0x3;
	[dreg:$0x4] =	wrdreg s6;
	s18 =	sadd.s32 s29, s8  }
0xb: {  	s22 =	sshll.u32 s7, $0x4;
	s4 =	sadd.s32 s29, s21;
	[dreg:$0x5] =	wrdreg s18  }
0xc: {  	s25 =	sshrl.u32 s23, $0x3;
	s24 =	sadd.s32 s31, s22;
	[dreg:$0x7] =	wrdreg s4  }
0xd: {  	s5 =	sshll.u32 s20, $0x4;
	s26 =	sadd.s32 s29, s25;
	[dreg:$0x8] =	wrdreg s24  }
0xe: {  	s7 =	sshll.u32 s23, $0x4;
	s0 =	sadd.s32 s31, s5;
	[dreg:$0x9] =	wrdreg s26  }
0xf: {  	s9 =	sshrl.u32 s11, $0x3;
	s8 =	sadd.s32 s31, s7;
	[dreg:$0xa] =	wrdreg s0  }
0x10: {  	s13 =	sadd.s32 $0xA80, s30;
	s10 =	sadd.s32 s29, s9;
	[dreg:$0xc] =	wrdreg s8  }
0x11: {  	s2 =	sadd.s32 $0x700, s30;
	s14 =	sshrl.u32 s13, $0x3;
	[dreg:$0xd] =	wrdreg s10  }
0x12: {  	s6 =	sshrl.u32 s2, $0x3;
	s16 =	sadd.s32 s29, s14;
	s15 =	rddreg [dreg:$0x4]  }
0x13: {  	s12 =	sshll.u32 s2, $0x4;
	s4 =	sadd.s32 s29, s6;
	[dreg:$0xf] =	wrdreg s16  }
0x14: {  	[dreg:$0xb] =	wrdreg s4;
	s4 =	sadd.s32 s31, s12  }
0x15: {  	[tilespmem:s3], [sflag:$0x3] =	stream.linear.gather [hbm4b:s15+s3], $0x1C0, $0x38;
	[tilespmem:$0x1C400] =	vst v63  }
0x16: {  	[dreg:$0xe] =	wrdreg s4;
	s4 =	simm.s32 $0x3  }
0x17: {  	_ =	swait.ge [sflag:s4], $0x1C0  }
0x18: {  	[sflag:s4] =	ssyncset.done $0x0  }
0x19: {  	s5 =	simm.s32 $0x1C0;
	s6 =	simm.s32 $0x400;
	[sflag:s4] =	ssyncadd.s32 $0xFFFFFE40  }
0x1a: {  	[tilespmem:s6], [sflag:$0x1] =	stream.indirect.gather [hbm4b:s1+s5], $0x80, s3, s5, $0xb8;
	[tilespmem:$0x1C400] =	vst v63  }
0x1b: {  	s7 =	simm.s32 $0x200;
	s17 =	rddreg [dreg:$0x5]  }
0x1c: {  	[tilespmem:s7], [sflag:$0x3] =	stream.linear.gather [hbm4b:s17+s3], $0x1C0, $0x38;
	[tilespmem:$0x1C400] =	vst v63  }
0x1d: {  	_ =	swait.ge [sflag:s4], $0x1C0  }
0x1e: {  	[sflag:s4] =	ssyncset.done $0x0  }
0x1f: {  	s9 =	simm.s32 $0x1;
	s8 =	simm.s32 $0xE400;
	[sflag:s4] =	ssyncadd.s32 $0xFFFFFE40  }
0x20: {  	[tilespmem:s8], [sflag:$0x1] =	stream.indirect.gather [hbm4b:s1+s5], $0x80, s7, s5, $0xb8;
	[tilespmem:$0x1C400] =	vst v63  }
0x21: {  	_ =	swait.ge [sflag:s9], $0xE000  }
0x22: {  	[sflag:s9] =	ssyncset.done $0x0  }
0x23: {  	s10 =	simm.s32 $0x2;
	s12 =	rddreg [dreg:$0x6];
	[sflag:s9] =	ssyncadd.s32 $0xFFFF2000  }
0x24: {  	[hbm4b:s12+s3] =	stream.linear.scatter [tilespmem:s6], [sflag:$0x2], $0xE000, $0x38;
	[tilespmem:$0x1C400] =	vst v63  }
0x25: {  	_ =	swait.ge [sflag:s10], $0xE000  }
0x26: {  	[sflag:s10] =	ssyncset.done $0x0  }
0x27: {  	s18 =	rddreg [dreg:$0x7];
	[sflag:s10] =	ssyncadd.s32 $0xFFFF2000  }
0x28: {  	[tilespmem:s3], [sflag:$0x3] =	stream.linear.gather [hbm4b:s18+s3], $0x1C0, $0x38;
	[tilespmem:$0x1C400] =	vst v63  }
0x29: {  	_ =	swait.ge [sflag:s4], $0x1C0  }
0x2a: {  	[sflag:s4] =	ssyncset.done $0x0  }
0x2b: {  	[sflag:s4] =	ssyncadd.s32 $0xFFFFFE40  }
0x2c: {  	[tilespmem:s6], [sflag:$0x1] =	stream.indirect.gather [hbm4b:s1+s5], $0x80, s3, s5, $0xb8;
	[tilespmem:$0x1C400] =	vst v63  }
0x2d: {  	_ =	swait.ge [sflag:s9], $0xE000  }
0x2e: {  	[sflag:s9] =	ssyncset.done $0x0  }
0x2f: {  	s19 =	rddreg [dreg:$0x8];
	[sflag:s9] =	ssyncadd.s32 $0xFFFF2000  }
0x30: {  	[hbm4b:s19+s3] =	stream.linear.scatter [tilespmem:s8], [sflag:$0x2], $0xE000, $0x38;
	[tilespmem:$0x1C400] =	vst v63  }
0x31: {  	_ =	swait.ge [sflag:s10], $0xE000  }
0x32: {  	[sflag:s10] =	ssyncset.done $0x0  }
0x33: {  	s20 =	rddreg [dreg:$0x9];
	[sflag:s10] =	ssyncadd.s32 $0xFFFF2000  }
0x34: {  	[tilespmem:s7], [sflag:$0x3] =	stream.linear.gather [hbm4b:s20+s3], $0x1C0, $0x38;
	[tilespmem:$0x1C400] =	vst v63  }
0x35: {  	_ =	swait.ge [sflag:s4], $0x1C0  }
0x36: {  	[sflag:s4] =	ssyncset.done $0x0  }
0x37: {  	[sflag:s4] =	ssyncadd.s32 $0xFFFFFE40  }
0x38: {  	[tilespmem:s8], [sflag:$0x1] =	stream.indirect.gather [hbm4b:s1+s5], $0x80, s7, s5, $0xb8;
	[tilespmem:$0x1C400] =	vst v63  }
0x39: {  	_ =	swait.ge [sflag:s9], $0xE000  }
0x3a: {  	[sflag:s9] =	ssyncset.done $0x0  }
0x3b: {  	s21 =	rddreg [dreg:$0xa];
	[sflag:s9] =	ssyncadd.s32 $0xFFFF2000  }
0x3c: {  	[hbm4b:s21+s3] =	stream.linear.scatter [tilespmem:s6], [sflag:$0x2], $0xE000, $0x38;
	[tilespmem:$0x1C400] =	vst v63  }
0x3d: {  	_ =	swait.ge [sflag:s10], $0xE000  }
0x3e: {  	[sflag:s10] =	ssyncset.done $0x0  }
0x3f: {  	s22 =	rddreg [dreg:$0xb];
	[sflag:s10] =	ssyncadd.s32 $0xFFFF2000  }
0x40: {  	[tilespmem:s3], [sflag:$0x3] =	stream.linear.gather [hbm4b:s22+s3], $0x1C0, $0x38;
	[tilespmem:$0x1C400] =	vst v63  }
0x41: {  	_ =	swait.ge [sflag:s4], $0x1C0  }
0x42: {  	[sflag:s4] =	ssyncset.done $0x0  }
0x43: {  	[sflag:s4] =	ssyncadd.s32 $0xFFFFFE40  }
0x44: {  	[tilespmem:s6], [sflag:$0x1] =	stream.indirect.gather [hbm4b:s1+s5], $0x80, s3, s5, $0xb8;
	[tilespmem:$0x1C400] =	vst v63  }
0x45: {  	_ =	swait.ge [sflag:s9], $0xE000  }
0x46: {  	[sflag:s9] =	ssyncset.done $0x0  }
0x47: {  	s23 =	rddreg [dreg:$0xc];
	[sflag:s9] =	ssyncadd.s32 $0xFFFF2000  }
0x48: {  	[hbm4b:s23+s3] =	stream.linear.scatter [tilespmem:s8], [sflag:$0x2], $0xE000, $0x38;
	[tilespmem:$0x1C400] =	vst v63  }
0x49: {  	_ =	swait.ge [sflag:s10], $0xE000  }
0x4a: {  	[sflag:s10] =	ssyncset.done $0x0  }
0x4b: {  	s24 =	rddreg [dreg:$0xd];
	[sflag:s10] =	ssyncadd.s32 $0xFFFF2000  }
0x4c: {  	[tilespmem:s7], [sflag:$0x3] =	stream.linear.gather [hbm4b:s24+s3], $0x1C0, $0x38;
	[tilespmem:$0x1C400] =	vst v63  }
0x4d: {  	_ =	swait.ge [sflag:s4], $0x1C0  }
0x4e: {  	[sflag:s4] =	ssyncset.done $0x0  }
0x4f: {  	[sflag:s4] =	ssyncadd.s32 $0xFFFFFE40  }
0x50: {  	[tilespmem:s8], [sflag:$0x1] =	stream.indirect.gather [hbm4b:s1+s5], $0x80, s7, s5, $0xb8;
	[tilespmem:$0x1C400] =	vst v63  }
0x51: {  	_ =	swait.ge [sflag:s9], $0xE000  }
0x52: {  	[sflag:s9] =	ssyncset.done $0x0  }
0x53: {  	s25 =	rddreg [dreg:$0xe];
	[sflag:s9] =	ssyncadd.s32 $0xFFFF2000  }
0x54: {  	[hbm4b:s25+s3] =	stream.linear.scatter [tilespmem:s6], [sflag:$0x2], $0xE000, $0x38;
	[tilespmem:$0x1C400] =	vst v63  }
0x55: {  	_ =	swait.ge [sflag:s10], $0xE000  }
0x56: {  	[sflag:s10] =	ssyncset.done $0x0  }
0x57: {  	s26 =	rddreg [dreg:$0xf];
	[sflag:s10] =	ssyncadd.s32 $0xFFFF2000  }
0x58: {  	[tilespmem:s3], [sflag:$0x3] =	stream.linear.gather [hbm4b:s26+s3], $0x1C0, $0x38;
	[tilespmem:$0x1C400] =	vst v63  }
0x59: {  	_ =	swait.ge [sflag:s4], $0x1C0  }
0x5a: {  	[sflag:s4] =	ssyncset.done $0x0  }
0x5b: {  	[sflag:s4] =	ssyncadd.s32 $0xFFFFFE40  }
0x5c: {  	[tilespmem:s6], [sflag:$0x1] =	stream.indirect.gather [hbm4b:s1+s5], $0x80, s3, s5, $0xb8;
	[tilespmem:$0x1C400] =	vst v63  }
0x5d: {  	_ =	swait.ge [sflag:s9], $0xE000  }
0x5e: {  	s11 =	sshll.u32 s11, $0x4;
	[sflag:s9] =	ssyncset.done $0x0  }
0x5f: {  	s11 =	sadd.s32 s31, s11;
	[sflag:s9] =	ssyncadd.s32 $0xFFFF2000  }
0x60: {  	[hbm4b:s11+s3] =	stream.linear.scatter [tilespmem:s8], [sflag:$0x2], $0xE000, $0x38;
	[tilespmem:$0x1C400] =	vst v63  }
0x61: {  	s15 =	sadd.s32 $0xC40, s30;
	_ =	swait.ge [sflag:s10], $0xE000  }
0x62: {  	s0 =	sshrl.u32 s15, $0x3;
	[sflag:s10] =	ssyncset.done $0x0  }
0x63: {  	s12 =	sadd.s32 s29, s0;
	[sflag:s10] =	ssyncadd.s32 $0xFFFF2000  }
0x64: {  	[tilespmem:s7], [sflag:$0x3] =	stream.linear.gather [hbm4b:s12+s3], $0x1C0, $0x38;
	[tilespmem:$0x1C400] =	vst v63  }
0x65: {  	_ =	swait.ge [sflag:s4], $0x1C0  }
0x66: {  	[sflag:s4] =	ssyncset.done $0x0  }
0x67: {  	[sflag:s4] =	ssyncadd.s32 $0xFFFFFE40  }
0x68: {  	[tilespmem:s8], [sflag:$0x1] =	stream.indirect.gather [hbm4b:s1+s5], $0x80, s7, s5, $0xb8;
	[tilespmem:$0x1C400] =	vst v63  }
0x69: {  	_ =	swait.ge [sflag:s9], $0xE000  }
0x6a: {  	s13 =	sshll.u32 s13, $0x4;
	[sflag:s9] =	ssyncset.done $0x0  }
0x6b: {  	s13 =	sadd.s32 s31, s13;
	[sflag:s9] =	ssyncadd.s32 $0xFFFF2000  }
0x6c: {  	[hbm4b:s13+s3] =	stream.linear.scatter [tilespmem:s6], [sflag:$0x2], $0xE000, $0x38;
	[tilespmem:$0x1C400] =	vst v63  }
0x6d: {  	s17 =	sadd.s32 $0xE00, s30;
	_ =	swait.ge [sflag:s10], $0xE000  }
0x6e: {  	s14 =	sshrl.u32 s17, $0x3;
	[sflag:s10] =	ssyncset.done $0x0  }
0x6f: {  	s14 =	sadd.s32 s29, s14;
	[sflag:s10] =	ssyncadd.s32 $0xFFFF2000  }
0x70: {  	[tilespmem:s3], [sflag:$0x3] =	stream.linear.gather [hbm4b:s14+s3], $0x1C0, $0x38;
	[tilespmem:$0x1C400] =	vst v63  }
0x71: {  	_ =	swait.ge [sflag:s4], $0x1C0  }
0x72: {  	[sflag:s4] =	ssyncset.done $0x0  }
0x73: {  	[sflag:s4] =	ssyncadd.s32 $0xFFFFFE40  }
0x74: {  	[tilespmem:s6], [sflag:$0x1] =	stream.indirect.gather [hbm4b:s1+s5], $0x80, s3, s5, $0xb8;
	[tilespmem:$0x1C400] =	vst v63  }
0x75: {  	_ =	swait.ge [sflag:s9], $0xE000  }
0x76: {  	s15 =	sshll.u32 s15, $0x4;
	[sflag:s9] =	ssyncset.done $0x0  }
0x77: {  	s15 =	sadd.s32 s31, s15;
	[sflag:s9] =	ssyncadd.s32 $0xFFFF2000  }
0x78: {  	[hbm4b:s15+s3] =	stream.linear.scatter [tilespmem:s8], [sflag:$0x2], $0xE000, $0x38;
	[tilespmem:$0x1C400] =	vst v63  }
0x79: {  	s19 =	sadd.s32 $0xFC0, s30;
	_ =	swait.ge [sflag:s10], $0xE000  }
0x7a: {  	s16 =	sshrl.u32 s19, $0x3;
	[sflag:s10] =	ssyncset.done $0x0  }
0x7b: {  	s16 =	sadd.s32 s29, s16;
	[sflag:s10] =	ssyncadd.s32 $0xFFFF2000  }
0x7c: {  	[tilespmem:s7], [sflag:$0x3] =	stream.linear.gather [hbm4b:s16+s3], $0x1C0, $0x38;
	[tilespmem:$0x1C400] =	vst v63  }
0x7d: {  	_ =	swait.ge [sflag:s4], $0x1C0  }
0x7e: {  	[sflag:s4] =	ssyncset.done $0x0  }
0x7f: {  	[sflag:s4] =	ssyncadd.s32 $0xFFFFFE40  }
0x80: {  	[tilespmem:s8], [sflag:$0x1] =	stream.indirect.gather [hbm4b:s1+s5], $0x80, s7, s5, $0xb8;
	[tilespmem:$0x1C400] =	vst v63  }
0x81: {  	_ =	swait.ge [sflag:s9], $0xE000  }
0x82: {  	s17 =	sshll.u32 s17, $0x4;
	[sflag:s9] =	ssyncset.done $0x0  }
0x83: {  	s17 =	sadd.s32 s31, s17;
	[sflag:s9] =	ssyncadd.s32 $0xFFFF2000  }
0x84: {  	[hbm4b:s17+s3] =	stream.linear.scatter [tilespmem:s6], [sflag:$0x2], $0xE000, $0x38;
	[tilespmem:$0x1C400] =	vst v63  }
0x85: {  	s21 =	sadd.s32 $0x1180, s30;
	_ =	swait.ge [sflag:s10], $0xE000  }
0x86: {  	s18 =	sshrl.u32 s21, $0x3;
	[sflag:s10] =	ssyncset.done $0x0  }
0x87: {  	s18 =	sadd.s32 s29, s18;
	[sflag:s10] =	ssyncadd.s32 $0xFFFF2000  }
0x88: {  	[tilespmem:s3], [sflag:$0x3] =	stream.linear.gather [hbm4b:s18+s3], $0x1C0, $0x38;
	[tilespmem:$0x1C400] =	vst v63  }
0x89: {  	_ =	swait.ge [sflag:s4], $0x1C0  }
0x8a: {  	[sflag:s4] =	ssyncset.done $0x0  }
0x8b: {  	[sflag:s4] =	ssyncadd.s32 $0xFFFFFE40  }
0x8c: {  	[tilespmem:s6], [sflag:$0x1] =	stream.indirect.gather [hbm4b:s1+s5], $0x80, s3, s5, $0xb8;
	[tilespmem:$0x1C400] =	vst v63  }
0x8d: {  	_ =	swait.ge [sflag:s9], $0xE000  }
0x8e: {  	s19 =	sshll.u32 s19, $0x4;
	[sflag:s9] =	ssyncset.done $0x0  }
0x8f: {  	s19 =	sadd.s32 s31, s19;
	[sflag:s9] =	ssyncadd.s32 $0xFFFF2000  }
0x90: {  	[hbm4b:s19+s3] =	stream.linear.scatter [tilespmem:s8], [sflag:$0x2], $0xE000, $0x38;
	[tilespmem:$0x1C400] =	vst v63  }
0x91: {  	s23 =	sadd.s32 $0x1340, s30;
	_ =	swait.ge [sflag:s10], $0xE000  }
0x92: {  	s20 =	sshrl.u32 s23, $0x3;
	[sflag:s10] =	ssyncset.done $0x0  }
0x93: {  	s20 =	sadd.s32 s29, s20;
	[sflag:s10] =	ssyncadd.s32 $0xFFFF2000  }
0x94: {  	[tilespmem:s7], [sflag:$0x3] =	stream.linear.gather [hbm4b:s20+s3], $0x1C0, $0x38;
	[tilespmem:$0x1C400] =	vst v63  }
0x95: {  	_ =	swait.ge [sflag:s4], $0x1C0  }
0x96: {  	[sflag:s4] =	ssyncset.done $0x0  }
0x97: {  	[sflag:s4] =	ssyncadd.s32 $0xFFFFFE40  }
0x98: {  	[tilespmem:s8], [sflag:$0x1] =	stream.indirect.gather [hbm4b:s1+s5], $0x80, s7, s5, $0xb8;
	[tilespmem:$0x1C400] =	vst v63  }
0x99: {  	_ =	swait.ge [sflag:s9], $0xE000  }
0x9a: {  	s21 =	sshll.u32 s21, $0x4;
	[sflag:s9] =	ssyncset.done $0x0  }
0x9b: {  	s21 =	sadd.s32 s31, s21;
	[sflag:s9] =	ssyncadd.s32 $0xFFFF2000  }
0x9c: {  	[hbm4b:s21+s3] =	stream.linear.scatter [tilespmem:s6], [sflag:$0x2], $0xE000, $0x38;
	[tilespmem:$0x1C400] =	vst v63  }
0x9d: {  	s25 =	sadd.s32 $0x1500, s30;
	_ =	swait.ge [sflag:s10], $0xE000  }
0x9e: {  	s22 =	sshrl.u32 s25, $0x3;
	[sflag:s10] =	ssyncset.done $0x0  }
0x9f: {  	s22 =	sadd.s32 s29, s22;
	[sflag:s10] =	ssyncadd.s32 $0xFFFF2000  }
0xa0: {  	[tilespmem:s3], [sflag:$0x3] =	stream.linear.gather [hbm4b:s22+s3], $0x1C0, $0x38;
	[tilespmem:$0x1C400] =	vst v63  }
0xa1: {  	_ =	swait.ge [sflag:s4], $0x1C0  }
0xa2: {  	[sflag:s4] =	ssyncset.done $0x0  }
0xa3: {  	[sflag:s4] =	ssyncadd.s32 $0xFFFFFE40  }
0xa4: {  	[tilespmem:s6], [sflag:$0x1] =	stream.indirect.gather [hbm4b:s1+s5], $0x80, s3, s5, $0xb8;
	[tilespmem:$0x1C400] =	vst v63  }
0xa5: {  	_ =	swait.ge [sflag:s9], $0xE000  }
0xa6: {  	s23 =	sshll.u32 s23, $0x4;
	[sflag:s9] =	ssyncset.done $0x0  }
0xa7: {  	s23 =	sadd.s32 s31, s23;
	[sflag:s9] =	ssyncadd.s32 $0xFFFF2000  }
0xa8: {  	[hbm4b:s23+s3] =	stream.linear.scatter [tilespmem:s8], [sflag:$0x2], $0xE000, $0x38;
	[tilespmem:$0x1C400] =	vst v63  }
0xa9: {  	s28 =	sadd.s32 $0x16C0, s30;
	_ =	swait.ge [sflag:s10], $0xE000  }
0xaa: {  	s24 =	sshrl.u32 s28, $0x3;
	[sflag:s10] =	ssyncset.done $0x0  }
0xab: {  	s24 =	sadd.s32 s29, s24;
	[sflag:s10] =	ssyncadd.s32 $0xFFFF2000  }
0xac: {  	[tilespmem:s7], [sflag:$0x3] =	stream.linear.gather [hbm4b:s24+s3], $0x1C0, $0x38;
	[tilespmem:$0x1C400] =	vst v63  }
0xad: {  	_ =	swait.ge [sflag:s4], $0x1C0  }
0xae: {  	[sflag:s4] =	ssyncset.done $0x0  }
0xaf: {  	[sflag:s4] =	ssyncadd.s32 $0xFFFFFE40  }
0xb0: {  	[tilespmem:s8], [sflag:$0x1] =	stream.indirect.gather [hbm4b:s1+s5], $0x80, s7, s5, $0xb8;
	[tilespmem:$0x1C400] =	vst v63  }
0xb1: {  	_ =	swait.ge [sflag:s9], $0xE000  }
0xb2: {  	s25 =	sshll.u32 s25, $0x4;
	[sflag:s9] =	ssyncset.done $0x0  }
0xb3: {  	s25 =	sadd.s32 s31, s25;
	[sflag:s9] =	ssyncadd.s32 $0xFFFF2000  }
0xb4: {  	[hbm4b:s25+s3] =	stream.linear.scatter [tilespmem:s6], [sflag:$0x2], $0xE000, $0x38;
	[tilespmem:$0x1C400] =	vst v63  }
0xb5: {  	s2 =	sadd.s32 $0x1880, s30;
	_ =	swait.ge [sflag:s10], $0xE000  }
0xb6: {  	s26 =	sshrl.u32 s2, $0x3;
	[sflag:s10] =	ssyncset.done $0x0  }
0xb7: {  	s26 =	sadd.s32 s29, s26;
	[sflag:s10] =	ssyncadd.s32 $0xFFFF2000  }
0xb8: {  	[tilespmem:s3], [sflag:$0x3] =	stream.linear.gather [hbm4b:s26+s3], $0x1C0, $0x38;
	[tilespmem:$0x1C400] =	vst v63  }
0xb9: {  	_ =	swait.ge [sflag:s4], $0x1C0  }
0xba: {  	[sflag:s4] =	ssyncset.done $0x0  }
0xbb: {  	[sflag:s4] =	ssyncadd.s32 $0xFFFFFE40  }
0xbc: {  	[tilespmem:s6], [sflag:$0x1] =	stream.indirect.gather [hbm4b:s1+s5], $0x80, s3, s5, $0xb8;
	[tilespmem:$0x1C400] =	vst v63  }
0xbd: {  	_ =	swait.ge [sflag:s9], $0xE000  }
0xbe: {  	s28 =	sshll.u32 s28, $0x4;
	[sflag:s9] =	ssyncset.done $0x0  }
0xbf: {  	s28 =	sadd.s32 s31, s28;
	[sflag:s9] =	ssyncadd.s32 $0xFFFF2000  }
0xc0: {  	[hbm4b:s28+s3] =	stream.linear.scatter [tilespmem:s8], [sflag:$0x2], $0xE000, $0x38;
	[tilespmem:$0x1C400] =	vst v63  }
0xc1: {  	s0 =	sadd.s32 $0x1A40, s30;
	_ =	swait.ge [sflag:s10], $0xE000  }
0xc2: {  	s30 =	sshrl.u32 s0, $0x3;
	[sflag:s10] =	ssyncset.done $0x0  }
0xc3: {  	s29 =	sadd.s32 s29, s30;
	[sflag:s10] =	ssyncadd.s32 $0xFFFF2000  }
0xc4: {  	[tilespmem:s7], [sflag:$0x3] =	stream.linear.gather [hbm4b:s29+s3], $0x1C0, $0x38;
	[tilespmem:$0x1C400] =	vst v63  }
0xc5: {  	_ =	swait.ge [sflag:s4], $0x1C0  }
0xc6: {  	[sflag:s4] =	ssyncset.done $0x0  }
0xc7: {  	[sflag:s4] =	ssyncadd.s32 $0xFFFFFE40  }
0xc8: {  	[tilespmem:s8], [sflag:$0x1] =	stream.indirect.gather [hbm4b:s1+s5], $0x80, s7, s5, $0xb8;
	[tilespmem:$0x1C400] =	vst v63  }
0xc9: {  	_ =	swait.ge [sflag:s9], $0xE000  }
0xca: {  	s2 =	sshll.u32 s2, $0x4;
	[sflag:s9] =	ssyncset.done $0x0  }
0xcb: {  	s30 =	sadd.s32 s31, s2;
	[sflag:s9] =	ssyncadd.s32 $0xFFFF2000  }
0xcc: {  	[hbm4b:s30+s3] =	stream.linear.scatter [tilespmem:s6], [sflag:$0x2], $0xE000, $0x38;
	[tilespmem:$0x1C400] =	vst v63  }
0xcd: {  	_ =	swait.ge [sflag:s9], $0xE000  }
0xce: {  	s0 =	sshll.u32 s0, $0x4;
	[sflag:s9] =	ssyncset.done $0x0;
	s2 =	rddreg [dreg:$0x10]  }
0xcf: {  	s31 =	sadd.s32 s31, s0;
	s0 =	ssub.s32 $0x2, s2;
	[sflag:s9] =	ssyncadd.s32 $0xFFFF2000  }
0xd0: {  	[hbm4b:s31+s3] =	stream.linear.scatter [tilespmem:s8], [sflag:$0x2], $0xE000, $0x38;
	[tilespmem:$0x1C400] =	vst v63  }
0xd1: {  	s2 =	sshrl.u32 s0, $0x1  }
0xd2: {  	s0 =	ssub.s32 s0, s2  }
0xd3: {  	s0 =	smax.u32 s0, $0x1  }
0xd4: {  	p0 =	sne.s32 s0, $0x1  }
.Ltmp0:
0xd5: {  	_ =	swait.ge [sflag:s10], $0xE000;
	(pc) =	sbr.rel @!p0 .LBB2_2-.Ltmp0, $4  }
0xd6: {  	[sflag:s10] =	ssyncset.done $0x0  }
0xd7: {  	[sflag:s10] =	ssyncadd.s32 $0xFFFF2000  }
0xd8: {  	_ =	swait.ge [sflag:s10], $0xE000  }
0xd9: {  	s2 =	sadd.s32 $0xFFFFFFFF, s0;
	[sflag:s10] =	ssyncset.done $0x0  }
.LBB2_1:
0xda: {  	s0 =	rddreg [dreg:$0x4];
	[sflag:s10] =	ssyncadd.s32 $0xFFFF2000  }
0xdb: {  	[tilespmem:s3], [sflag:$0x3] =	stream.linear.gather [hbm4b:s0+s3], $0x1C0, $0x38;
	[tilespmem:$0x1C400] =	vst v63  }
0xdc: {  	_ =	swait.ge [sflag:s4], $0x1C0  }
0xdd: {  	[sflag:s4] =	ssyncset.done $0x0  }
0xde: {  	[sflag:s4] =	ssyncadd.s32 $0xFFFFFE40  }
0xdf: {  	[tilespmem:s6], [sflag:$0x1] =	stream.indirect.gather [hbm4b:s1+s5], $0x80, s3, s5, $0xb8;
	[tilespmem:$0x1C400] =	vst v63  }
0xe0: {  	s0 =	rddreg [dreg:$0x5]  }
0xe1: {  	[tilespmem:s7], [sflag:$0x3] =	stream.linear.gather [hbm4b:s0+s3], $0x1C0, $0x38;
	[tilespmem:$0x1C400] =	vst v63  }
0xe2: {  	_ =	swait.ge [sflag:s4], $0x1C0  }
0xe3: {  	[sflag:s4] =	ssyncset.done $0x0  }
0xe4: {  	[sflag:s4] =	ssyncadd.s32 $0xFFFFFE40  }
0xe5: {  	[tilespmem:s8], [sflag:$0x1] =	stream.indirect.gather [hbm4b:s1+s5], $0x80, s7, s5, $0xb8;
	[tilespmem:$0x1C400] =	vst v63  }
0xe6: {  	_ =	swait.ge [sflag:s9], $0xE000  }
0xe7: {  	[sflag:s9] =	ssyncset.done $0x0  }
0xe8: {  	s0 =	rddreg [dreg:$0x6];
	[sflag:s9] =	ssyncadd.s32 $0xFFFF2000  }
0xe9: {  	[hbm4b:s0+s3] =	stream.linear.scatter [tilespmem:s6], [sflag:$0x2], $0xE000, $0x38;
	[tilespmem:$0x1C400] =	vst v63  }
0xea: {  	_ =	swait.ge [sflag:s10], $0xE000  }
0xeb: {  	[sflag:s10] =	ssyncset.done $0x0  }
0xec: {  	s0 =	rddreg [dreg:$0x7];
	[sflag:s10] =	ssyncadd.s32 $0xFFFF2000  }
0xed: {  	[tilespmem:s3], [sflag:$0x3] =	stream.linear.gather [hbm4b:s0+s3], $0x1C0, $0x38;
	[tilespmem:$0x1C400] =	vst v63  }
0xee: {  	_ =	swait.ge [sflag:s4], $0x1C0  }
0xef: {  	[sflag:s4] =	ssyncset.done $0x0  }
0xf0: {  	[sflag:s4] =	ssyncadd.s32 $0xFFFFFE40  }
0xf1: {  	[tilespmem:s6], [sflag:$0x1] =	stream.indirect.gather [hbm4b:s1+s5], $0x80, s3, s5, $0xb8;
	[tilespmem:$0x1C400] =	vst v63  }
0xf2: {  	_ =	swait.ge [sflag:s9], $0xE000  }
0xf3: {  	[sflag:s9] =	ssyncset.done $0x0  }
0xf4: {  	s0 =	rddreg [dreg:$0x8];
	[sflag:s9] =	ssyncadd.s32 $0xFFFF2000  }
0xf5: {  	[hbm4b:s0+s3] =	stream.linear.scatter [tilespmem:s8], [sflag:$0x2], $0xE000, $0x38;
	[tilespmem:$0x1C400] =	vst v63  }
0xf6: {  	_ =	swait.ge [sflag:s10], $0xE000  }
0xf7: {  	[sflag:s10] =	ssyncset.done $0x0  }
0xf8: {  	s0 =	rddreg [dreg:$0x9];
	[sflag:s10] =	ssyncadd.s32 $0xFFFF2000  }
0xf9: {  	[tilespmem:s7], [sflag:$0x3] =	stream.linear.gather [hbm4b:s0+s3], $0x1C0, $0x38;
	[tilespmem:$0x1C400] =	vst v63  }
0xfa: {  	_ =	swait.ge [sflag:s4], $0x1C0  }
0xfb: {  	[sflag:s4] =	ssyncset.done $0x0  }
0xfc: {  	[sflag:s4] =	ssyncadd.s32 $0xFFFFFE40  }
0xfd: {  	[tilespmem:s8], [sflag:$0x1] =	stream.indirect.gather [hbm4b:s1+s5], $0x80, s7, s5, $0xb8;
	[tilespmem:$0x1C400] =	vst v63  }
0xfe: {  	_ =	swait.ge [sflag:s9], $0xE000  }
0xff: {  	[sflag:s9] =	ssyncset.done $0x0  }
0x100: {  	s0 =	rddreg [dreg:$0xa];
	[sflag:s9] =	ssyncadd.s32 $0xFFFF2000  }
0x101: {  	[hbm4b:s0+s3] =	stream.linear.scatter [tilespmem:s6], [sflag:$0x2], $0xE000, $0x38;
	[tilespmem:$0x1C400] =	vst v63  }
0x102: {  	_ =	swait.ge [sflag:s10], $0xE000  }
0x103: {  	[sflag:s10] =	ssyncset.done $0x0  }
0x104: {  	s0 =	rddreg [dreg:$0xb];
	[sflag:s10] =	ssyncadd.s32 $0xFFFF2000  }
0x105: {  	[tilespmem:s3], [sflag:$0x3] =	stream.linear.gather [hbm4b:s0+s3], $0x1C0, $0x38;
	[tilespmem:$0x1C400] =	vst v63  }
0x106: {  	_ =	swait.ge [sflag:s4], $0x1C0  }
0x107: {  	[sflag:s4] =	ssyncset.done $0x0  }
0x108: {  	[sflag:s4] =	ssyncadd.s32 $0xFFFFFE40  }
0x109: {  	[tilespmem:s6], [sflag:$0x1] =	stream.indirect.gather [hbm4b:s1+s5], $0x80, s3, s5, $0xb8;
	[tilespmem:$0x1C400] =	vst v63  }
0x10a: {  	_ =	swait.ge [sflag:s9], $0xE000  }
0x10b: {  	[sflag:s9] =	ssyncset.done $0x0  }
0x10c: {  	s0 =	rddreg [dreg:$0xc];
	[sflag:s9] =	ssyncadd.s32 $0xFFFF2000  }
0x10d: {  	[hbm4b:s0+s3] =	stream.linear.scatter [tilespmem:s8], [sflag:$0x2], $0xE000, $0x38;
	[tilespmem:$0x1C400] =	vst v63  }
0x10e: {  	_ =	swait.ge [sflag:s10], $0xE000  }
0x10f: {  	[sflag:s10] =	ssyncset.done $0x0  }
0x110: {  	s0 =	rddreg [dreg:$0xd];
	[sflag:s10] =	ssyncadd.s32 $0xFFFF2000  }
0x111: {  	[tilespmem:s7], [sflag:$0x3] =	stream.linear.gather [hbm4b:s0+s3], $0x1C0, $0x38;
	[tilespmem:$0x1C400] =	vst v63  }
0x112: {  	_ =	swait.ge [sflag:s4], $0x1C0  }
0x113: {  	[sflag:s4] =	ssyncset.done $0x0  }
0x114: {  	[sflag:s4] =	ssyncadd.s32 $0xFFFFFE40  }
0x115: {  	[tilespmem:s8], [sflag:$0x1] =	stream.indirect.gather [hbm4b:s1+s5], $0x80, s7, s5, $0xb8;
	[tilespmem:$0x1C400] =	vst v63  }
0x116: {  	_ =	swait.ge [sflag:s9], $0xE000  }
0x117: {  	[sflag:s9] =	ssyncset.done $0x0  }
0x118: {  	s0 =	rddreg [dreg:$0xe];
	[sflag:s9] =	ssyncadd.s32 $0xFFFF2000  }
0x119: {  	[hbm4b:s0+s3] =	stream.linear.scatter [tilespmem:s6], [sflag:$0x2], $0xE000, $0x38;
	[tilespmem:$0x1C400] =	vst v63  }
0x11a: {  	_ =	swait.ge [sflag:s10], $0xE000  }
0x11b: {  	[sflag:s10] =	ssyncset.done $0x0  }
0x11c: {  	s0 =	rddreg [dreg:$0xf];
	[sflag:s10] =	ssyncadd.s32 $0xFFFF2000  }
0x11d: {  	[tilespmem:s3], [sflag:$0x3] =	stream.linear.gather [hbm4b:s0+s3], $0x1C0, $0x38;
	[tilespmem:$0x1C400] =	vst v63  }
0x11e: {  	_ =	swait.ge [sflag:s4], $0x1C0  }
0x11f: {  	[sflag:s4] =	ssyncset.done $0x0  }
0x120: {  	[sflag:s4] =	ssyncadd.s32 $0xFFFFFE40  }
0x121: {  	[tilespmem:s6], [sflag:$0x1] =	stream.indirect.gather [hbm4b:s1+s5], $0x80, s3, s5, $0xb8;
	[tilespmem:$0x1C400] =	vst v63  }
0x122: {  	_ =	swait.ge [sflag:s9], $0xE000  }
0x123: {  	[sflag:s9] =	ssyncset.done $0x0  }
0x124: {  	[sflag:s9] =	ssyncadd.s32 $0xFFFF2000  }
0x125: {  	[hbm4b:s11+s3] =	stream.linear.scatter [tilespmem:s8], [sflag:$0x2], $0xE000, $0x38;
	[tilespmem:$0x1C400] =	vst v63  }
0x126: {  	_ =	swait.ge [sflag:s10], $0xE000  }
0x127: {  	[sflag:s10] =	ssyncset.done $0x0  }
0x128: {  	[sflag:s10] =	ssyncadd.s32 $0xFFFF2000  }
0x129: {  	[tilespmem:s7], [sflag:$0x3] =	stream.linear.gather [hbm4b:s12+s3], $0x1C0, $0x38;
	[tilespmem:$0x1C400] =	vst v63  }
0x12a: {  	_ =	swait.ge [sflag:s4], $0x1C0  }
0x12b: {  	[sflag:s4] =	ssyncset.done $0x0  }
0x12c: {  	[sflag:s4] =	ssyncadd.s32 $0xFFFFFE40  }
0x12d: {  	[tilespmem:s8], [sflag:$0x1] =	stream.indirect.gather [hbm4b:s1+s5], $0x80, s7, s5, $0xb8;
	[tilespmem:$0x1C400] =	vst v63  }
0x12e: {  	_ =	swait.ge [sflag:s9], $0xE000  }
0x12f: {  	[sflag:s9] =	ssyncset.done $0x0  }
0x130: {  	[sflag:s9] =	ssyncadd.s32 $0xFFFF2000  }
0x131: {  	[hbm4b:s13+s3] =	stream.linear.scatter [tilespmem:s6], [sflag:$0x2], $0xE000, $0x38;
	[tilespmem:$0x1C400] =	vst v63  }
0x132: {  	_ =	swait.ge [sflag:s10], $0xE000  }
0x133: {  	[sflag:s10] =	ssyncset.done $0x0  }
0x134: {  	[sflag:s10] =	ssyncadd.s32 $0xFFFF2000  }
0x135: {  	[tilespmem:s3], [sflag:$0x3] =	stream.linear.gather [hbm4b:s14+s3], $0x1C0, $0x38;
	[tilespmem:$0x1C400] =	vst v63  }
0x136: {  	_ =	swait.ge [sflag:s4], $0x1C0  }
0x137: {  	[sflag:s4] =	ssyncset.done $0x0  }
0x138: {  	[sflag:s4] =	ssyncadd.s32 $0xFFFFFE40  }
0x139: {  	[tilespmem:s6], [sflag:$0x1] =	stream.indirect.gather [hbm4b:s1+s5], $0x80, s3, s5, $0xb8;
	[tilespmem:$0x1C400] =	vst v63  }
0x13a: {  	_ =	swait.ge [sflag:s9], $0xE000  }
0x13b: {  	[sflag:s9] =	ssyncset.done $0x0  }
0x13c: {  	[sflag:s9] =	ssyncadd.s32 $0xFFFF2000  }
0x13d: {  	[hbm4b:s15+s3] =	stream.linear.scatter [tilespmem:s8], [sflag:$0x2], $0xE000, $0x38;
	[tilespmem:$0x1C400] =	vst v63  }
0x13e: {  	_ =	swait.ge [sflag:s10], $0xE000  }
0x13f: {  	[sflag:s10] =	ssyncset.done $0x0  }
0x140: {  	[sflag:s10] =	ssyncadd.s32 $0xFFFF2000  }
0x141: {  	[tilespmem:s7], [sflag:$0x3] =	stream.linear.gather [hbm4b:s16+s3], $0x1C0, $0x38;
	[tilespmem:$0x1C400] =	vst v63  }
0x142: {  	_ =	swait.ge [sflag:s4], $0x1C0  }
0x143: {  	[sflag:s4] =	ssyncset.done $0x0  }
0x144: {  	[sflag:s4] =	ssyncadd.s32 $0xFFFFFE40  }
0x145: {  	[tilespmem:s8], [sflag:$0x1] =	stream.indirect.gather [hbm4b:s1+s5], $0x80, s7, s5, $0xb8;
	[tilespmem:$0x1C400] =	vst v63  }
0x146: {  	_ =	swait.ge [sflag:s9], $0xE000  }
0x147: {  	[sflag:s9] =	ssyncset.done $0x0  }
0x148: {  	[sflag:s9] =	ssyncadd.s32 $0xFFFF2000  }
0x149: {  	[hbm4b:s17+s3] =	stream.linear.scatter [tilespmem:s6], [sflag:$0x2], $0xE000, $0x38;
	[tilespmem:$0x1C400] =	vst v63  }
0x14a: {  	_ =	swait.ge [sflag:s10], $0xE000  }
0x14b: {  	[sflag:s10] =	ssyncset.done $0x0  }
0x14c: {  	[sflag:s10] =	ssyncadd.s32 $0xFFFF2000  }
0x14d: {  	[tilespmem:s3], [sflag:$0x3] =	stream.linear.gather [hbm4b:s18+s3], $0x1C0, $0x38;
	[tilespmem:$0x1C400] =	vst v63  }
0x14e: {  	_ =	swait.ge [sflag:s4], $0x1C0  }
0x14f: {  	[sflag:s4] =	ssyncset.done $0x0  }
0x150: {  	[sflag:s4] =	ssyncadd.s32 $0xFFFFFE40  }
0x151: {  	[tilespmem:s6], [sflag:$0x1] =	stream.indirect.gather [hbm4b:s1+s5], $0x80, s3, s5, $0xb8;
	[tilespmem:$0x1C400] =	vst v63  }
0x152: {  	_ =	swait.ge [sflag:s9], $0xE000  }
0x153: {  	[sflag:s9] =	ssyncset.done $0x0  }
0x154: {  	[sflag:s9] =	ssyncadd.s32 $0xFFFF2000  }
0x155: {  	[hbm4b:s19+s3] =	stream.linear.scatter [tilespmem:s8], [sflag:$0x2], $0xE000, $0x38;
	[tilespmem:$0x1C400] =	vst v63  }
0x156: {  	_ =	swait.ge [sflag:s10], $0xE000  }
0x157: {  	[sflag:s10] =	ssyncset.done $0x0  }
0x158: {  	[sflag:s10] =	ssyncadd.s32 $0xFFFF2000  }
0x159: {  	[tilespmem:s7], [sflag:$0x3] =	stream.linear.gather [hbm4b:s20+s3], $0x1C0, $0x38;
	[tilespmem:$0x1C400] =	vst v63  }
0x15a: {  	_ =	swait.ge [sflag:s4], $0x1C0  }
0x15b: {  	[sflag:s4] =	ssyncset.done $0x0  }
0x15c: {  	[sflag:s4] =	ssyncadd.s32 $0xFFFFFE40  }
0x15d: {  	[tilespmem:s8], [sflag:$0x1] =	stream.indirect.gather [hbm4b:s1+s5], $0x80, s7, s5, $0xb8;
	[tilespmem:$0x1C400] =	vst v63  }
0x15e: {  	_ =	swait.ge [sflag:s9], $0xE000  }
0x15f: {  	[sflag:s9] =	ssyncset.done $0x0  }
0x160: {  	[sflag:s9] =	ssyncadd.s32 $0xFFFF2000  }
0x161: {  	[hbm4b:s21+s3] =	stream.linear.scatter [tilespmem:s6], [sflag:$0x2], $0xE000, $0x38;
	[tilespmem:$0x1C400] =	vst v63  }
0x162: {  	_ =	swait.ge [sflag:s10], $0xE000  }
0x163: {  	[sflag:s10] =	ssyncset.done $0x0  }
0x164: {  	[sflag:s10] =	ssyncadd.s32 $0xFFFF2000  }
0x165: {  	[tilespmem:s3], [sflag:$0x3] =	stream.linear.gather [hbm4b:s22+s3], $0x1C0, $0x38;
	[tilespmem:$0x1C400] =	vst v63  }
0x166: {  	_ =	swait.ge [sflag:s4], $0x1C0  }
0x167: {  	[sflag:s4] =	ssyncset.done $0x0  }
0x168: {  	[sflag:s4] =	ssyncadd.s32 $0xFFFFFE40  }
0x169: {  	[tilespmem:s6], [sflag:$0x1] =	stream.indirect.gather [hbm4b:s1+s5], $0x80, s3, s5, $0xb8;
	[tilespmem:$0x1C400] =	vst v63  }
0x16a: {  	_ =	swait.ge [sflag:s9], $0xE000  }
0x16b: {  	[sflag:s9] =	ssyncset.done $0x0  }
0x16c: {  	[sflag:s9] =	ssyncadd.s32 $0xFFFF2000  }
0x16d: {  	[hbm4b:s23+s3] =	stream.linear.scatter [tilespmem:s8], [sflag:$0x2], $0xE000, $0x38;
	[tilespmem:$0x1C400] =	vst v63  }
0x16e: {  	_ =	swait.ge [sflag:s10], $0xE000  }
0x16f: {  	[sflag:s10] =	ssyncset.done $0x0  }
0x170: {  	[sflag:s10] =	ssyncadd.s32 $0xFFFF2000  }
0x171: {  	[tilespmem:s7], [sflag:$0x3] =	stream.linear.gather [hbm4b:s24+s3], $0x1C0, $0x38;
	[tilespmem:$0x1C400] =	vst v63  }
0x172: {  	_ =	swait.ge [sflag:s4], $0x1C0  }
0x173: {  	[sflag:s4] =	ssyncset.done $0x0  }
0x174: {  	[sflag:s4] =	ssyncadd.s32 $0xFFFFFE40  }
0x175: {  	[tilespmem:s8], [sflag:$0x1] =	stream.indirect.gather [hbm4b:s1+s5], $0x80, s7, s5, $0xb8;
	[tilespmem:$0x1C400] =	vst v63  }
0x176: {  	_ =	swait.ge [sflag:s9], $0xE000  }
0x177: {  	[sflag:s9] =	ssyncset.done $0x0  }
0x178: {  	[sflag:s9] =	ssyncadd.s32 $0xFFFF2000  }
0x179: {  	[hbm4b:s25+s3] =	stream.linear.scatter [tilespmem:s6], [sflag:$0x2], $0xE000, $0x38;
	[tilespmem:$0x1C400] =	vst v63  }
0x17a: {  	_ =	swait.ge [sflag:s10], $0xE000  }
0x17b: {  	[sflag:s10] =	ssyncset.done $0x0  }
0x17c: {  	[sflag:s10] =	ssyncadd.s32 $0xFFFF2000  }
0x17d: {  	[tilespmem:s3], [sflag:$0x3] =	stream.linear.gather [hbm4b:s26+s3], $0x1C0, $0x38;
	[tilespmem:$0x1C400] =	vst v63  }
0x17e: {  	_ =	swait.ge [sflag:s4], $0x1C0  }
0x17f: {  	[sflag:s4] =	ssyncset.done $0x0  }
0x180: {  	[sflag:s4] =	ssyncadd.s32 $0xFFFFFE40  }
0x181: {  	[tilespmem:s6], [sflag:$0x1] =	stream.indirect.gather [hbm4b:s1+s5], $0x80, s3, s5, $0xb8;
	[tilespmem:$0x1C400] =	vst v63  }
0x182: {  	_ =	swait.ge [sflag:s9], $0xE000  }
0x183: {  	[sflag:s9] =	ssyncset.done $0x0  }
0x184: {  	[sflag:s9] =	ssyncadd.s32 $0xFFFF2000  }
0x185: {  	[hbm4b:s28+s3] =	stream.linear.scatter [tilespmem:s8], [sflag:$0x2], $0xE000, $0x38;
	[tilespmem:$0x1C400] =	vst v63  }
0x186: {  	_ =	swait.ge [sflag:s10], $0xE000  }
0x187: {  	[sflag:s10] =	ssyncset.done $0x0  }
0x188: {  	[sflag:s10] =	ssyncadd.s32 $0xFFFF2000  }
0x189: {  	[tilespmem:s7], [sflag:$0x3] =	stream.linear.gather [hbm4b:s29+s3], $0x1C0, $0x38;
	[tilespmem:$0x1C400] =	vst v63  }
0x18a: {  	_ =	swait.ge [sflag:s4], $0x1C0  }
0x18b: {  	[sflag:s4] =	ssyncset.done $0x0  }
0x18c: {  	[sflag:s4] =	ssyncadd.s32 $0xFFFFFE40  }
0x18d: {  	[tilespmem:s8], [sflag:$0x1] =	stream.indirect.gather [hbm4b:s1+s5], $0x80, s7, s5, $0xb8;
	[tilespmem:$0x1C400] =	vst v63  }
0x18e: {  	_ =	swait.ge [sflag:s9], $0xE000  }
0x18f: {  	[sflag:s9] =	ssyncset.done $0x0  }
0x190: {  	[sflag:s9] =	ssyncadd.s32 $0xFFFF2000  }
0x191: {  	[hbm4b:s30+s3] =	stream.linear.scatter [tilespmem:s6], [sflag:$0x2], $0xE000, $0x38;
	[tilespmem:$0x1C400] =	vst v63  }
0x192: {  	_ =	swait.ge [sflag:s9], $0xE000  }
0x193: {  	[sflag:s9] =	ssyncset.done $0x0  }
0x194: {  	p0 =	sne.s32 s2, $0x1;
	[sflag:s9] =	ssyncadd.s32 $0xFFFF2000  }
0x195: {  	[hbm4b:s31+s3] =	stream.linear.scatter [tilespmem:s8], [sflag:$0x2], $0xE000, $0x38;
	[tilespmem:$0x1C400] =	vst v63  }
.Ltmp1:
0x196: {  	_ =	swait.ge [sflag:s10], $0xE000;
	(pc) =	sbr.rel @p0 .LBB2_1-.Ltmp1, $4  }
0x197: {  	[sflag:s10] =	ssyncset.done $0x0  }
0x198: {  	[sflag:s10] =	ssyncadd.s32 $0xFFFF2000  }
0x199: {  	_ =	swait.ge [sflag:s10], $0xE000  }
0x19a: {  	s2 =	sadd.s32 $0xFFFFFFFF, s2;
	[sflag:s10] =	ssyncset.done $0x0  }
.LBB2_2:
0x19b: {  	[sflag:s10] =	ssyncadd.s32 $0xFFFF2000  }
0x19c: {  	_ =	sfence.sel $0x180000  }
0x19d: {  	[bflag:$0x0] =	sbarrier.arrive $0xFFFF  }
0x19e: {  	_ =	strace $0x90000047  }
0x19f: {  	s0 =	stileid.u32;
	[bflag:$0x2] =	sbarrier.arrive $0xFFFF  }
0x1a0: {  	p0 =	sne.s32 s0, $0x0;
	s0 =	rddreg [dreg:$0x3]  }
0x1a1: {  	s0 =	sadd.s32 @!p0 $0x100000, s0  }
0x1a2: {  	[sflag:s0] =	ssyncadd.tile.s32 @!p0 $0x1;
	_ =	shalt  }
.Lfunc_end2:
_tile_overlayer_lowered:
.L_overlay_start_2:
0x1a3: {  	(tag) =	ssettag $0x2  }
0x1a4: {  	s0 =	rddreg [dreg:$0x0];
	s2 =	stileid.u32  }
0x1a5: {  	s1 =	rddreg [dreg:$0x1];
	p0 =	sne.s32 s2, $0x0  }
0x1a6: {  	s3 =	rddreg [dreg:$0x2];
	[bflag:$0x3] =	sbarrier.arrive $0xFFFF;
	s2 =	simm.s32 @!p0 $0x1C03  }
0x1a7: {  	[timem:s3], [sflag:s2] =	dma.local @!p0 [hbm:s0], s1  }
0x1a8: {  	s0 =	simm.s32 @!p0 $0x3  }
0x1a9: {  	_ =	swait.ge @!p0 [sflag:s0], s1  }
0x1aa: {  	s1 =	ssub.s32 @!p0 $0x0, s1;
	[sflag:s0] =	ssyncset.done @!p0 $0x0  }
0x1ab: {  	[sflag:s0] =	ssyncadd.s32 @!p0 s1  }
0x1ac: {  	[bflag:$0x3] =	sbarrier.arrive $0xFFFF  }
0x1ad: {  	_ =	shalt  }

// kernel: sparse-core-data-format-call.cloned.1.call-start
scs
called_computation_lowered:
.L_overlay_start_0:
0x0: {  	s2 =	sld [smem:$0x3FD9]  }
0x1: {  	s3 =	sld [smem:$0x3FFE];
	_ =	sdelay $0x1  }
0x2: {  	s1 =	srdreg.scid  }
0x3: {  	s0 =	sand.u32 $0x1, s1  }
0x4: {  	s18 =	sshll.u32 s0, $0xA;
	s2 =	sadd.s32 s3, s2  }
0x5: {  	s2 =	sadd.s32 s2, s18  }
0x6: {  	[smem:$0x3FC6] =	sst s2  }
0x7: {  	_ = 	snop  }
0x8: {  	s2 =	sld [smem:$0x3FD0];
	(tm) =	ssettm $0x1  }
0x9: {  	s19 =	sld [smem:$0x3FFB];
	_ =	sdelay $0x3  }
0xa: {  	_ =	strace s19  }
0xb: {  	s3 =	sld [smem:$0x3FFC];
	_ =	sdelay $0x3  }
0xc: {  	_ =	strace s3  }
0xd: {  	s3 =	sld [smem:$0x3FFD];
	_ =	sdelay $0x3  }
0xe: {  	_ =	strace s3  }
0xf: {  	_ =	strace $0x8FFFFFFF  }
0x10: {  	s20 =	sld [smem:$0x3FDB];
	_ =	sdelay $0x1  }
0x11: {  	s4 =	simm.s32 $_scs_section_size  }
0x12: {  	s5 =	simm.s32 $_size__tile_overlayer_lowered;
	s6 =	simm.s32 $_tile_overlayer_lowered  }
0x13: {  	s23 =	simm.s32 $0x1BFF;
	s22 =	sshll.u32 s6, $0x1;
	s3 =	sadd.s32 s4, s20  }
0x14: {  	s7 =	simm.s32 $0x0;
	s21 =	sshll.u32 s5, $0x1;
	s5 =	sadd.s32 s22, s3  }
0x15: {  	[timem:s7], [sflag:s23] =	dma.local [hbm:s5], s21  }
0x16: {  	_ =	swait.ge [sflag:s23], s21  }
0x17: {  	s4 =	ssub.s32 $0x0, s21;
	[sflag:s23] =	ssyncset.done $0x0  }
0x18: {  	[sflag:s23] =	ssyncadd.s32 s4;
	_ =	sdelay $0x1  }
0x19: {  	s24 =	simm.s32 $0x1B8B  }
0x1a: {  	_ =	swait.ge [sflag:s24], $0x1  }
0x1b: {  	[sflag:s24] =	ssyncset.done $0x0  }
0x1c: {  	s26 =	simm.s32 $0x1B8E;
	s25 =	sld [smem:$0x3FFE];
	[sflag:s24] =	ssyncadd.s32 $0xFFFFFFFF  }
0x1d: {  	s27 =	simm.s32 $execute0_lowered;
	[smem:$0x3FD2] =	sst s26  }
0x1e: {  	s5 =	sshll.u32 s27, $0x1;
	_ =	strace $0x80000049;
	[dreg:$0x1] =	wrdreg $0xFFFFFFFF  }
0x1f: {  	s28 =	simm.s32 $_size_execute0_lowered;
	s3 =	sadd.s32 s3, s5;
	[dreg:$0x0] =	wrdreg $0x0  }
0x20: {  	s5 =	sshll.u32 s28, $0x1;
	[dreg:$0x2] =	wrdreg s3  }
0x21: {  	[dreg:$0x3] =	wrdreg s5  }
0x22: {  	[dreg:$0x4] =	wrdreg $0xC0  }
0x23: {  	_ =	task [dreg:s7], $0x5FFFF  }
0x24: {  	[dreg:$0x1] =	wrdreg $0xFFFFFFFF  }
0x25: {  	[dreg:$0x0] =	wrdreg $0x60  }
0x26: {  	[dreg:$0x2] =	wrdreg s25  }
0x27: {  	[dreg:$0x3] =	wrdreg s2  }
0x28: {  	[dreg:$0x4] =	wrdreg $0x9  }
0x29: {  	_ =	task.clear_ibuf [dreg:s7], $0x5FFFF;
	_ =	strace $0x90000049  }
0x2a: {  	s29 =	simm.s32 $0x9;
	_ =	strace $0x8000004B  }
0x2b: {  	_ =	swait.ge [sflag:s29], $0x1  }
0x2c: {  	[sflag:s29] =	ssyncadd.s32 $0xFFFFFFFF  }
0x2d: {  	_ =	strace $0x9000004B  }
0x2e: {  	_ =	sfence  }
0x2f: {  	s30 =	sld [smem:$0x0];
	_ =	sdelay $0x2  }
0x30: {  	s31 =	sshll.u32 s1, $0xD;
	s1 =	sshrl.u32 s1, $0x2  }
0x31: {  	s3 =	sand.u32 $0x4000, s31;
	s1 =	sadd.s32 s1, s30  }
0x32: {  	s0 =	sor.u32 s3, s0;
	s1 =	sshll.u32 s1, $0x11  }
0x33: {  	s0 =	sor.u32 s1, s0  }
0x34: {  	s0 =	sadd.s32 $0x8F2B, s0  }
0x35: {  	[sflag:s0] =	ssyncadd.remote.s32 $0x1  }
0x36: {  	_ =	sfence.sel $0xFFFF  }
0x37: {  	[dreg:$0x0] =	wrdreg $0xFFFFFFFF;
	(pc) =	sbr.abs _section_cstart, $3  }
0x38: {  	[dreg:$0x1] =	wrdreg $0xFFFFFFFF  }
0x39: {  	_ =	task.clear_ibuf [dreg:s7], $0x2FFFF;
	_ =	strace $0x9FFFFFFF  }
0x3a: {  	(tm) =	ssettm $0x7FFFFFFF  }
0x3b: {  	_ =	shalt  }
tec
execute0_lowered:
.L_overlay_start_1:
0x0: {  	(tag) =	ssettag $0x1  }
0x1: {  	s0 =	srdreg.scid  }
0x2: {  	s1 =	sshll.u32 s0, $0x4  }
0x3: {  	s0 =	stileid.u32;
	s1 =	sand.u32 $0x10, s1  }
0x4: {  	s1 =	sor.u32 s0, s1  }
0x5: {  	s6 =	rddreg [dreg:$0x0];
	s4 =	simm.s32 $0x1;
	s2 =	sshll.u32 s1, $0x6  }
0x6: {  	s7 =	simm.s32 $0x2;
	s13 =	simm.s32 $0x0;
	s1 =	ssub.s32 $0x1000, s2  }
0x7: {  	s8 =	simm.s32 $0x2000;
	s9 =	simm.s32 $0x80000;
	s3 =	sand.u32 $0x7C0, s1  }
0x8: {  	s14 =	simm.s32 $0x0;
	s5 =	sshrl.u32 s1, $0xB;
	p0 =	sne.s32 s3, $0x0  }
.Ltmp0:
0x9: {  	s1 =	rddreg [dreg:$0x2];
	s4 =	simm.s32 @!p0 $0x0;
	(pc) =	sbr.rel .LBB1_1-.Ltmp0, $4  }
0xa: {  	s10 =	simm.s32 $0x0;
	s3 =	rddreg [dreg:$0x1];
	s5 =	sadd.s32 s4, s5  }
0xb: {  	_ =	strace $0x8000004A;
	s4 =	simm.s32 $0x1;
	s5 =	smul.u32 $0x19, s5  }
0xc: {  	s12 =	simm.s32 $0x0;
	s6 =	sadd.s32 $0x800, s6;
	[sflag:s4] =	ssyncpa.u1 $0x0  }
0xd: {  	s11 =	smov.u32 s2;
	[sflag:s7] =	ssyncpa.u1 $0x0;
	s7 =	sadd.s32 $0x1, s5  }
.LBB1_7:
0xe: {  	s15 =	sadd.s32 $0x2, s10  }
0xf: {  	s13 =	sadd.s32 $0x800, s11;
	s17 =	smov.u32 s11;
	p1 =	sgt.s32 s15, $0x31  }
0x10: {  	s17 =	smov.u32 @p1 s13  }
0x11: {  	s15 =	simm.s32 @p1 $0x0;
	p1 =	sgt.s32 s17, $0xFFF  }
0x12: {  	s17 =	smov.u32 @p1 s2;
	p1 =	sne.s32 s12, s7  }
.Ltmp1:
0x13: {  	p0 =	slt.u32 s12, $0x2;
	(pc) =	sbr.rel @!p1 .LBB1_8-.Ltmp1, $4  }
0x14: {  	s16 =	simm.s32 @!p0 $0x2  }
0x15: {  	s14 =	smov.u32 s11;
	_ =	swait.ge @!p0 [sflag:s16], $0x4000  }
0x16: {  	s13 =	smov.u32 s10;
	[sflag:s16] =	ssyncset.done @!p0 $0x0;
	s10 =	smov.u32 s15  }
0x17: {  	s12 =	sadd.s32 $0x1, s12;
	[sflag:s16] =	ssyncadd.s32 @!p0 $0xFFFFC000;
	s11 =	smov.u32 s17  }
.LBB1_1:
0x18: {  	p0 =	sge.u32 s12, s5  }
0x19: {  	s15 =	sand.u32 @!p0 $0x1FFFFFF, s10  }
0x1a: {  	s16 =	smulhi.u32 @!p0 $0x4924925, s15;
	_ =	sdelay $0x1  }
0x1b: {  	s16 =	smul.u32 @!p0 $0x38, s16  }
0x1c: {  	s17 =	sxor.u32 @!p0 $0xFFFFFFFF, s12;
	s18 =	smul.u32 @!p0 $0x380, s11  }
0x1d: {  	s31 =	sadd.s32 $0xFFFFFFFF, s12;
	s17 =	sshll.u32 @!p0 s17, $0xE;
	s15 =	ssub.s32 @!p0 s15, s16  }
0x1e: {  	s16 =	sand.u32 @!p0 $0x4000, s17;
	s17 =	sadd.s32 @!p0 s6, s18;
	s15 =	sshll.u32 @!p0 s15, $0x4  }
0x1f: {  	s18 =	simm.s32 @!p0 $0x1C00;
	s15 =	sadd.s32 @!p0 s15, s17;
	s17 =	simm.s32 @!p0 $0x100  }
0x20: {  	[tilespmem:s16], [sflag:$0x1] =	stream.strided.gather @!p0 [hbm4b:s15+s17], $0x4000, s18, s17, $0x38;
	[tilespmem:$0x10000] =	vst v63  }
0x21: {  	p0 =	sge.u32 s31, s5  }
.Ltmp2:
0x22: {  	_ = 	snop;
	(pc) =	sbr.rel @p0 .LBB1_7-.Ltmp2, $1  }
0x23: {  	_ =	sdelay $0x3  }
0x24: {  	_ =	swait.ge [sflag:s4], $0x4000;
	s15 =	sshll.u32 s12, $0xE  }
0x25: {  	[sflag:s4] =	ssyncset.done $0x0;
	s16 =	sand.u32 $0x4000, s15  }
0x26: {  	s17 =	simm.s32 $0x0;
	[sflag:s4] =	ssyncadd.s32 $0xFFFFC000;
	s15 =	sor.u32 $0x8000, s16  }
.LBB1_3:
0x27: {  	s18 =	sshll.u32 s17, $0x8  }
0x28: {  	s18 =	sand.u32 $0x3FFFFF00, s18  }
0x29: {  	s19 =	sshll.u32 s17, $0x7;
	s18 =	sadd.s32 s18, s16  }
0x2a: {  	s19 =	sand.u32 $0x3FFFFF80, s19;
	v0 =	vmov s18  }
0x2b: {  	s19 =	sadd.s32 s19, s15  }
0x2c: {  	p0 =	por $0x1, $0x1;
	v1 =	vmov s19;
	s18 =	simm.s32 $0x0  }
.LBB1_4:
0x2d: {  	s19 =	sshll.u32 s18, $0x7  }
0x2e: {  	s19 =	sand.u32 $0x3FFFFF80, s19  }
0x2f: {  	v2 =	vld.idx.msk [tilespmem:v0+s19+$0x0 ss:$0x1], $0xffff  }
0x30: {  	v3 =	vld.idx.msk [tilespmem:v0+s19+$0x10 ss:$0x1], $0xffff  }
0x31: {  	v4 =	vld.idx.msk [tilespmem:v0+s19+$0x20 ss:$0x1], $0xffff  }
0x32: {  	s31 =	sshll.u32 s18, $0xD;
	v5 =	vld.idx.msk [tilespmem:v0+s19+$0x30 ss:$0x1], $0xffff  }
0x33: {  	s18 =	sand.u32 $0x3FFFE000, s31;
	v6 =	vld.idx.msk [tilespmem:v0+s19+$0x40 ss:$0x1], $0xffff  }
0x34: {  	v63 =	vld.idx.msk [tilespmem:v0+s19+$0x70 ss:$0x1], $0xffff;
	[tilespmem:v1+s18+$0x0 ss:$0x1] =	vst.idx.msk $0xffff, v2  }
0x35: {  	v2 =	vld.idx.msk [tilespmem:v0+s19+$0x50 ss:$0x1], $0xffff;
	[tilespmem:v1+s18+$0x10 ss:$0x1] =	vst.idx.msk $0xffff, v3  }
0x36: {  	p1 =	por p0, p0;
	v3 =	vld.idx.msk [tilespmem:v0+s19+$0x60 ss:$0x1], $0xffff;
	[tilespmem:v1+s18+$0x20 ss:$0x1] =	vst.idx.msk $0xffff, v4  }
.Ltmp3:
0x37: {  	[tilespmem:v1+s18+$0x30 ss:$0x1] =	vst.idx.msk $0xffff, v5;
	(pc) =	sbr.rel @p1 .LBB1_4-.Ltmp3, $4  }
0x38: {  	[tilespmem:v1+s18+$0x40 ss:$0x1] =	vst.idx.msk $0xffff, v6  }
0x39: {  	[tilespmem:v1+s18+$0x70 ss:$0x1] =	vst.idx.msk $0xffff, v63  }
0x3a: {  	[tilespmem:v1+s18+$0x50 ss:$0x1] =	vst.idx.msk $0xffff, v2  }
0x3b: {  	p0 =	por $0x0, $0x0;
	[tilespmem:v1+s18+$0x60 ss:$0x1] =	vst.idx.msk $0xffff, v3;
	s18 =	simm.s32 $0x1  }
0x3c: {  	s17 =	sadd.s32 $0x1, s17  }
0x3d: {  	p0 =	sne.s32 s17, $0x40  }
.Ltmp4:
0x3e: {  	_ = 	snop;
	(pc) =	sbr.rel @p0 .LBB1_3-.Ltmp4, $1  }
0x3f: {  	_ =	sdelay $0x3  }
.Ltmp5:
0x40: {  	s14 =	sshll.u32 s14, $0x4;
	(pc) =	sbr.rel .LBB1_7-.Ltmp5, $4  }
0x41: {  	s14 =	sand.u32 $0xFFF0, s14  }
0x42: {  	s13 =	sshll.u32 s13, $0x10;
	s14 =	sadd.s32 s3, s14  }
0x43: {  	s13 =	sadd.s32 s13, s14  }
0x44: {  	[hbm4b:s13+s8] =	stream.strided.scatter [tilespmem:s15], [sflag:$0x2], $0x4000, s9, s8, $0x38;
	[tilespmem:$0x10000] =	vst v63  }
.LBB1_8:
0x45: {  	_ =	sfence.sel $0x180000  }
0x46: {  	s2 =	simm.s32 $0x1;
	[bflag:$0x0] =	sbarrier.arrive $0xFFFF  }
0x47: {  	s31 =	simm.s32 $0x2;
	[sflag:s2] =	ssyncpa.u1 $0x1  }
0x48: {  	[sflag:s31] =	ssyncpa.u1 $0x1  }
0x49: {  	p0 =	sne.s32 s0, $0x0;
	_ =	strace $0x9000004A  }
0x4a: {  	s0 =	sadd.s32 @!p0 $0x100000, s1;
	[bflag:$0x2] =	sbarrier.arrive $0xFFFF  }
0x4b: {  	[sflag:s0] =	ssyncadd.tile.s32 @!p0 $0x1;
	_ =	shalt  }
.Lfunc_end1:
_tile_overlayer_lowered:
.L_overlay_start_2:
0x4c: {  	(tag) =	ssettag $0x2  }
0x4d: {  	s0 =	rddreg [dreg:$0x0];
	s2 =	stileid.u32  }
0x4e: {  	s1 =	rddreg [dreg:$0x1];
	p0 =	sne.s32 s2, $0x0  }
0x4f: {  	s3 =	rddreg [dreg:$0x2];
	[bflag:$0x3] =	sbarrier.arrive $0xFFFF;
	s2 =	simm.s32 @!p0 $0x1C01  }
0x50: {  	[timem:s3], [sflag:s2] =	dma.local @!p0 [hbm:s0], s1  }
0x51: {  	s0 =	simm.s32 @!p0 $0x1  }
0x52: {  	_ =	swait.ge @!p0 [sflag:s0], s1  }
0x53: {  	s1 =	ssub.s32 @!p0 $0x0, s1;
	[sflag:s0] =	ssyncset.done @!p0 $0x0  }
0x54: {  	[sflag:s0] =	ssyncadd.s32 @!p0 s1  }
0x55: {  	[bflag:$0x3] =	sbarrier.arrive $0xFFFF  }
0x56: {  	_ =	shalt  }

</sc_bundles>
